<compile_context>
chip_gen: v7x
topology: tpu7x:2x2x1
jax: 0.10.2.dev20260603
libtpu: 0.0.44.dev20260713+nightly
codegen_flags: <defaults>
</compile_context>

<pallas_src>
import functools

import jax
import jax.numpy as jnp
from jax import lax
from jax.experimental import pallas as pl
from jax.experimental.pallas import tpu as pltpu
from jax.experimental.pallas import tpu_sc as plsc

NUM_WORKERS = 32
CHUNK = 1600


def _sc_gather_add(table, idx, pos):
    maxlen = pos.shape[0]
    d = table.shape[1]
    n = idx.shape[0] * idx.shape[1]
    reps = CHUNK // maxlen
    per_w = n // NUM_WORKERS
    n_chunks = per_w // CHUNK
    mesh = plsc.VectorSubcoreMesh(core_axis_name="c", subcore_axis_name="s")

    @functools.partial(
        pl.kernel,
        mesh=mesh,
        out_type=jax.ShapeDtypeStruct((n, 128), jnp.float32),
        compiler_params=pltpu.CompilerParams(use_tc_tiling_on_sc=False),
        scratch_types=[
            pltpu.VMEM((reps, maxlen), jnp.int32),
            pltpu.VMEM((reps, maxlen), jnp.int32),
            pltpu.VMEM((CHUNK, d), jnp.float32),
            pltpu.VMEM((CHUNK, d), jnp.float32),
            pltpu.VMEM((maxlen, d), jnp.float32),
            pltpu.SemaphoreType.DMA,
            pltpu.SemaphoreType.DMA,
            pltpu.SemaphoreType.DMA,
            pltpu.SemaphoreType.DMA,
        ],
    )
    def gather_kernel(table_hbm, idx_hbm, pos_hbm, out_hbm,
                      idx0, idx1, rows0, rows1, pos_v, g0, g1, w0, w1):
        wid = lax.axis_index("s") * 2 + lax.axis_index("c")
        base = wid * per_w
        idx_v = (idx0, idx1)
        rows_v = (rows0, rows1)
        gsem = (g0, g1)
        wsem = (w0, w1)

        pltpu.sync_copy(pos_hbm, pos_v)

        def add_pos(b):
            rows = rows_v[b]

            @pl.loop(0, maxlen)
            def _(p):
                for h in range(d // 16):
                    pv = pos_v[p, pl.ds(h * 16, 16)]
                    for t in range(reps):
                        plsc.addupdate(
                            rows.at[t * maxlen + p, pl.ds(h * 16, 16)], pv)

        def start_gather(ci, b):
            row0 = (base + ci * CHUNK) // maxlen
            pltpu.sync_copy(idx_hbm.at[pl.ds(row0, reps)], idx_v[b])
            for k in range(reps):
                pltpu.async_copy(table_hbm.at[idx_v[b].at[k]],
                                 rows_v[b].at[pl.ds(k * maxlen, maxlen)],
                                 gsem[b])

        def wait_gather(b):
            for k in range(reps):
                pltpu.make_async_copy(table_hbm.at[idx_v[b].at[k]],
                                      rows_v[b].at[pl.ds(k * maxlen, maxlen)],
                                      gsem[b]).wait()

        def start_writeback(ci, b):
            off = base + ci * CHUNK
            pltpu.async_copy(
                rows_v[b],
                out_hbm.at[pl.ds(off, CHUNK), pl.ds(0, d)],
                wsem[b])

        def wait_writeback(ci, b):
            off = base + ci * CHUNK
            pltpu.make_async_copy(
                rows_v[b],
                out_hbm.at[pl.ds(off, CHUNK), pl.ds(0, d)],
                wsem[b]).wait()

        start_gather(0, 0)

        @pl.loop(0, n_chunks, step=2)
        def _(ci):
            for b in range(2):
                cur = ci + b
                nxt = cur + 1

                @pl.when(nxt < n_chunks)
                def _():
                    @pl.when(nxt >= 2)
                    def _():
                        wait_writeback(nxt - 2, 1 - b)
                    start_gather(nxt, 1 - b)

                wait_gather(b)
                add_pos(b)
                start_writeback(cur, b)

        wait_writeback(n_chunks - 2, 0)
        wait_writeback(n_chunks - 1, 1)

    return gather_kernel(table, idx, pos)


def kernel(x, token_table, pos_table):
    b, maxlen = x.shape
    d = token_table.shape[1]
    out128 = _sc_gather_add(token_table, x.astype(jnp.int32), pos_table)
    return out128[:, :d].reshape(b, maxlen, d)

# --- scband reference (transcript-rebuilt; emitter-appended) ---
"""Pipeline reference for scband-token-and-position-embedding-6193342841064 (READ-ONLY COPY).

The authoritative reference and input builder live on the scoring server;
editing this copy changes nothing except your own understanding.
"""

import jax, jax.numpy as jnp
import numpy as np

MAXLEN = 200
VOCAB_SIZE = 100000
EMBED_DIM = 32
BATCH = 4096


def setup_inputs(seed: int = 0) -> dict:
    key = jax.random.key(seed)
    k1, k2, k3 = jax.random.split(key, 3)
    x = jax.random.randint(k1, (BATCH, MAXLEN), 0, VOCAB_SIZE, dtype=jnp.int64 if jax.config.jax_enable_x64 else jnp.int32)
    token_table = jax.random.normal(k2, (VOCAB_SIZE, EMBED_DIM), dtype=jnp.float32) * 0.05
    pos_table = jax.random.normal(k3, (MAXLEN, EMBED_DIM), dtype=jnp.float32) * 0.05
    return {"x": x, "token_table": token_table, "pos_table": pos_table}


def reference(x, token_table, pos_table):
    # maxlen taken from the last dim of x, as in the original call()
    maxlen = x.shape[-1]
    positions = jnp.arange(0, maxlen)
    pos_emb = jnp.take(pos_table, positions, axis=0)          # [maxlen, embed_dim]
    tok_emb = jnp.take(token_table, x, axis=0)                # [B, maxlen, embed_dim]
    return tok_emb + pos_emb[None, :, :]

if __name__ == "__main__":
    import jax
    _d = setup_inputs()
    print(jax.jit(kernel)(*tuple(_d.values())))

</pallas_src>

<mosaic_0001>
#map = affine_map<(d0, d1) -> (0, 0)>
module attributes {stable_mosaic.version = 14 : i64} {
  func.func @gather_kernel(%arg0: i32, %arg1: i32, %arg2: memref<100000x32xf32, #tpu.memory_space<hbm>>, %arg3: memref<4096x200xi32, #tpu.memory_space<hbm>>, %arg4: memref<200x32xf32, #tpu.memory_space<hbm>>, %arg5: memref<819200x128xf32, #tpu.memory_space<hbm>>, %arg6: memref<8x200xi32, #tpu.memory_space<vmem>>, %arg7: memref<8x200xi32, #tpu.memory_space<vmem>>, %arg8: memref<1600x32xf32, #tpu.memory_space<vmem>>, %arg9: memref<1600x32xf32, #tpu.memory_space<vmem>>, %arg10: memref<200x32xf32, #tpu.memory_space<vmem>>, %arg11: memref<!tpu.dma_semaphore, #tpu.memory_space<semaphore_mem>>, %arg12: memref<!tpu.dma_semaphore, #tpu.memory_space<semaphore_mem>>, %arg13: memref<!tpu.dma_semaphore, #tpu.memory_space<semaphore_mem>>, %arg14: memref<!tpu.dma_semaphore, #tpu.memory_space<semaphore_mem>>) attributes {dimension_semantics = [#tpu.dimension_semantics<core_parallel>, #tpu.dimension_semantics<subcore_parallel>], iteration_bounds = array<i64: 2, 16>, scalar_prefetch = 0 : i64, scratch_operands = 9 : i64, tpu.core_type = #tpu.core_type<sc_vector_subcore>, window_params = [{transform_indices = #map}, {transform_indices = #map}, {transform_indices = #map}, {transform_indices = #map}]} {
    %mul3A = arith.constant 2 : i32
    %mul3A_0 = arith.muli %arg1, %mul3A : i32
    %add3A = arith.addi %mul3A_0, %arg0 : i32
    %mul3A_1 = arith.constant 25600 : i32
    %mul3A_2 = arith.muli %add3A, %mul3A_1 : i32
    "tpu.region"() ({
      %run_scoped3A = tpu.sem_alloc : memref<!tpu.dma_semaphore, #tpu.memory_space<semaphore_mem>>
      tpu.enqueue_dma source(%arg4 : memref<200x32xf32, #tpu.memory_space<hbm>>) target(%arg10 : memref<200x32xf32, #tpu.memory_space<vmem>>) target_semaphore(%run_scoped3A : memref<!tpu.dma_semaphore, #tpu.memory_space<semaphore_mem>>)
      tpu.wait_dma2 semaphore(%run_scoped3A : memref<!tpu.dma_semaphore, #tpu.memory_space<semaphore_mem>>) src(%arg4 : memref<200x32xf32, #tpu.memory_space<hbm>>) dst(%arg10 : memref<200x32xf32, #tpu.memory_space<vmem>>)
      tpu.yield
    }) : () -> ()
    %add3A_3 = arith.constant 0 : i32
    %add3A_4 = arith.addi %mul3A_2, %add3A_3 : i32
    %jit3A = arith.constant 200 : i32
    %div3A = arith.divsi %add3A_4, %jit3A : i32
    %sign3A = arith.constant 0 : i32
    %sign3A_5 = arith.cmpi sgt, %add3A_4, %sign3A : i32
    %sign3A_6 = arith.extui %sign3A_5 : i1 to i32
    %sign3A_7 = arith.constant 0 : i32
    %sign3A_8 = arith.cmpi slt, %add3A_4, %sign3A_7 : i32
    %sign3A_9 = arith.extui %sign3A_8 : i1 to i32
    %sign3A_10 = arith.subi %sign3A_6, %sign3A_9 : i32
    %sign3A_11 = arith.constant 0 : i32
    %sign3A_12 = arith.cmpi sgt, %jit3A, %sign3A_11 : i32
    %sign3A_13 = arith.extui %sign3A_12 : i1 to i32
    %sign3A_14 = arith.constant 0 : i32
    %sign3A_15 = arith.cmpi slt, %jit3A, %sign3A_14 : i32
    %sign3A_16 = arith.extui %sign3A_15 : i1 to i32
    %sign3A_17 = arith.subi %sign3A_13, %sign3A_16 : i32
    %ne3A = arith.cmpi ne, %sign3A_10, %sign3A_17 : i32
    %rem3A = arith.remsi %add3A_4, %jit3A : i32
    %ne3A_18 = arith.constant 0 : i32
    %ne3A_19 = arith.cmpi ne, %rem3A, %ne3A_18 : i32
    %and3A = arith.andi %ne3A, %ne3A_19 : i1
    %sub3A = arith.constant 1 : i32
    %sub3A_20 = arith.subi %div3A, %sub3A : i32
    %select_n3A = arith.select %and3A, %sub3A_20, %div3A : i32
    "tpu.region"() ({
      %run_scoped3A = tpu.sem_alloc : memref<!tpu.dma_semaphore, #tpu.memory_space<semaphore_mem>>
      %dma_start3A_115 = arith.constant 0 : i32
      %dma_start3A_116 = tpu.memref_slice %arg3[%select_n3A, %dma_start3A_115] : memref<4096x200xi32, #tpu.memory_space<hbm>> -> memref<8x200xi32, #tpu.memory_space<hbm>>
      %dma_start3A_117 = arith.constant 0 : i32
      %dma_start3A_118 = tpu.memref_slice %arg3[%select_n3A, %dma_start3A_117] : memref<4096x200xi32, #tpu.memory_space<hbm>> -> memref<8x200xi32, #tpu.memory_space<hbm>>
      tpu.enqueue_dma source(%dma_start3A_118 : memref<8x200xi32, #tpu.memory_space<hbm>>) target(%arg6 : memref<8x200xi32, #tpu.memory_space<vmem>>) target_semaphore(%run_scoped3A : memref<!tpu.dma_semaphore, #tpu.memory_space<semaphore_mem>>)
      %dma_wait3A_119 = arith.constant 0 : i32
      %dma_wait3A_120 = tpu.memref_slice %arg3[%select_n3A, %dma_wait3A_119] : memref<4096x200xi32, #tpu.memory_space<hbm>> -> memref<8x200xi32, #tpu.memory_space<hbm>>
      %dma_wait3A_121 = arith.constant 0 : i32
      %dma_wait3A_122 = tpu.memref_slice %arg3[%select_n3A, %dma_wait3A_121] : memref<4096x200xi32, #tpu.memory_space<hbm>> -> memref<8x200xi32, #tpu.memory_space<hbm>>
      tpu.wait_dma2 semaphore(%run_scoped3A : memref<!tpu.dma_semaphore, #tpu.memory_space<semaphore_mem>>) src(%dma_wait3A_122 : memref<8x200xi32, #tpu.memory_space<hbm>>) dst(%arg6 : memref<8x200xi32, #tpu.memory_space<vmem>>)
      tpu.yield
    }) : () -> ()
    %dma_start3A = arith.constant 0 : i32
    %dma_start3A_21 = arith.constant 0 : i32
    %dma_start3A_22 = arith.constant 0 : i32
    %dma_start3A_23 = tpu.memref_slice %arg8[%dma_start3A_21, %dma_start3A_22] : memref<1600x32xf32, #tpu.memory_space<vmem>> -> memref<200x32xf32, #tpu.memory_space<vmem>>
    %dma_start3A_24 = arith.constant 0 : i32
    %dma_start3A_25 = tpu.memref_slice %arg6[%dma_start3A, %dma_start3A_24] : memref<8x200xi32, #tpu.memory_space<vmem>> -> memref<1x200xi32, #tpu.memory_space<vmem>>
    %dma_start3A_26 = tpu.memref_squeeze %dma_start3A_25 : memref<1x200xi32, #tpu.memory_space<vmem>> -> memref<200xi32, #tpu.memory_space<vmem>>
    %dma_start3A_27 = arith.constant 0 : i32
    %dma_start3A_28 = arith.constant 0 : i32
    %dma_start3A_29 = tpu.memref_slice %arg2[%dma_start3A_27, %dma_start3A_28] : memref<100000x32xf32, #tpu.memory_space<hbm>> -> memref<100000x32xf32, #tpu.memory_space<hbm>>
    tpu.enqueue_indirect_dma source(%dma_start3A_29 : memref<100000x32xf32, #tpu.memory_space<hbm>>) target(%dma_start3A_23 : memref<200x32xf32, #tpu.memory_space<vmem>>) offsets(%dma_start3A_26 : memref<200xi32, #tpu.memory_space<vmem>>) semaphore(%arg11 : memref<!tpu.dma_semaphore, #tpu.memory_space<semaphore_mem>>)
    %dma_start3A_30 = arith.constant 1 : i32
    %dma_start3A_31 = arith.constant 200 : i32
    %dma_start3A_32 = arith.constant 0 : i32
    %dma_start3A_33 = tpu.memref_slice %arg8[%dma_start3A_31, %dma_start3A_32] : memref<1600x32xf32, #tpu.memory_space<vmem>> -> memref<200x32xf32, #tpu.memory_space<vmem>>
    %dma_start3A_34 = arith.constant 0 : i32
    %dma_start3A_35 = tpu.memref_slice %arg6[%dma_start3A_30, %dma_start3A_34] : memref<8x200xi32, #tpu.memory_space<vmem>> -> memref<1x200xi32, #tpu.memory_space<vmem>>
    %dma_start3A_36 = tpu.memref_squeeze %dma_start3A_35 : memref<1x200xi32, #tpu.memory_space<vmem>> -> memref<200xi32, #tpu.memory_space<vmem>>
    %dma_start3A_37 = arith.constant 0 : i32
    %dma_start3A_38 = arith.constant 0 : i32
    %dma_start3A_39 = tpu.memref_slice %arg2[%dma_start3A_37, %dma_start3A_38] : memref<100000x32xf32, #tpu.memory_space<hbm>> -> memref<100000x32xf32, #tpu.memory_space<hbm>>
    tpu.enqueue_indirect_dma source(%dma_start3A_39 : memref<100000x32xf32, #tpu.memory_space<hbm>>) target(%dma_start3A_33 : memref<200x32xf32, #tpu.memory_space<vmem>>) offsets(%dma_start3A_36 : memref<200xi32, #tpu.memory_space<vmem>>) semaphore(%arg11 : memref<!tpu.dma_semaphore, #tpu.memory_space<semaphore_mem>>)
    %dma_start3A_40 = arith.constant 2 : i32
    %dma_start3A_41 = arith.constant 400 : i32
    %dma_start3A_42 = arith.constant 0 : i32
    %dma_start3A_43 = tpu.memref_slice %arg8[%dma_start3A_41, %dma_start3A_42] : memref<1600x32xf32, #tpu.memory_space<vmem>> -> memref<200x32xf32, #tpu.memory_space<vmem>>
    %dma_start3A_44 = arith.constant 0 : i32
    %dma_start3A_45 = tpu.memref_slice %arg6[%dma_start3A_40, %dma_start3A_44] : memref<8x200xi32, #tpu.memory_space<vmem>> -> memref<1x200xi32, #tpu.memory_space<vmem>>
    %dma_start3A_46 = tpu.memref_squeeze %dma_start3A_45 : memref<1x200xi32, #tpu.memory_space<vmem>> -> memref<200xi32, #tpu.memory_space<vmem>>
    %dma_start3A_47 = arith.constant 0 : i32
    %dma_start3A_48 = arith.constant 0 : i32
    %dma_start3A_49 = tpu.memref_slice %arg2[%dma_start3A_47, %dma_start3A_48] : memref<100000x32xf32, #tpu.memory_space<hbm>> -> memref<100000x32xf32, #tpu.memory_space<hbm>>
    tpu.enqueue_indirect_dma source(%dma_start3A_49 : memref<100000x32xf32, #tpu.memory_space<hbm>>) target(%dma_start3A_43 : memref<200x32xf32, #tpu.memory_space<vmem>>) offsets(%dma_start3A_46 : memref<200xi32, #tpu.memory_space<vmem>>) semaphore(%arg11 : memref<!tpu.dma_semaphore, #tpu.memory_space<semaphore_mem>>)
    %dma_start3A_50 = arith.constant 3 : i32
    %dma_start3A_51 = arith.constant 600 : i32
    %dma_start3A_52 = arith.constant 0 : i32
    %dma_start3A_53 = tpu.memref_slice %arg8[%dma_start3A_51, %dma_start3A_52] : memref<1600x32xf32, #tpu.memory_space<vmem>> -> memref<200x32xf32, #tpu.memory_space<vmem>>
    %dma_start3A_54 = arith.constant 0 : i32
    %dma_start3A_55 = tpu.memref_slice %arg6[%dma_start3A_50, %dma_start3A_54] : memref<8x200xi32, #tpu.memory_space<vmem>> -> memref<1x200xi32, #tpu.memory_space<vmem>>
    %dma_start3A_56 = tpu.memref_squeeze %dma_start3A_55 : memref<1x200xi32, #tpu.memory_space<vmem>> -> memref<200xi32, #tpu.memory_space<vmem>>
    %dma_start3A_57 = arith.constant 0 : i32
    %dma_start3A_58 = arith.constant 0 : i32
    %dma_start3A_59 = tpu.memref_slice %arg2[%dma_start3A_57, %dma_start3A_58] : memref<100000x32xf32, #tpu.memory_space<hbm>> -> memref<100000x32xf32, #tpu.memory_space<hbm>>
    tpu.enqueue_indirect_dma source(%dma_start3A_59 : memref<100000x32xf32, #tpu.memory_space<hbm>>) target(%dma_start3A_53 : memref<200x32xf32, #tpu.memory_space<vmem>>) offsets(%dma_start3A_56 : memref<200xi32, #tpu.memory_space<vmem>>) semaphore(%arg11 : memref<!tpu.dma_semaphore, #tpu.memory_space<semaphore_mem>>)
    %dma_start3A_60 = arith.constant 4 : i32
    %dma_start3A_61 = arith.constant 800 : i32
    %dma_start3A_62 = arith.constant 0 : i32
    %dma_start3A_63 = tpu.memref_slice %arg8[%dma_start3A_61, %dma_start3A_62] : memref<1600x32xf32, #tpu.memory_space<vmem>> -> memref<200x32xf32, #tpu.memory_space<vmem>>
    %dma_start3A_64 = arith.constant 0 : i32
    %dma_start3A_65 = tpu.memref_slice %arg6[%dma_start3A_60, %dma_start3A_64] : memref<8x200xi32, #tpu.memory_space<vmem>> -> memref<1x200xi32, #tpu.memory_space<vmem>>
    %dma_start3A_66 = tpu.memref_squeeze %dma_start3A_65 : memref<1x200xi32, #tpu.memory_space<vmem>> -> memref<200xi32, #tpu.memory_space<vmem>>
    %dma_start3A_67 = arith.constant 0 : i32
    %dma_start3A_68 = arith.constant 0 : i32
    %dma_start3A_69 = tpu.memref_slice %arg2[%dma_start3A_67, %dma_start3A_68] : memref<100000x32xf32, #tpu.memory_space<hbm>> -> memref<100000x32xf32, #tpu.memory_space<hbm>>
    tpu.enqueue_indirect_dma source(%dma_start3A_69 : memref<100000x32xf32, #tpu.memory_space<hbm>>) target(%dma_start3A_63 : memref<200x32xf32, #tpu.memory_space<vmem>>) offsets(%dma_start3A_66 : memref<200xi32, #tpu.memory_space<vmem>>) semaphore(%arg11 : memref<!tpu.dma_semaphore, #tpu.memory_space<semaphore_mem>>)
    %dma_start3A_70 = arith.constant 5 : i32
    %dma_start3A_71 = arith.constant 1000 : i32
    %dma_start3A_72 = arith.constant 0 : i32
    %dma_start3A_73 = tpu.memref_slice %arg8[%dma_start3A_71, %dma_start3A_72] : memref<1600x32xf32, #tpu.memory_space<vmem>> -> memref<200x32xf32, #tpu.memory_space<vmem>>
    %dma_start3A_74 = arith.constant 0 : i32
    %dma_start3A_75 = tpu.memref_slice %arg6[%dma_start3A_70, %dma_start3A_74] : memref<8x200xi32, #tpu.memory_space<vmem>> -> memref<1x200xi32, #tpu.memory_space<vmem>>
    %dma_start3A_76 = tpu.memref_squeeze %dma_start3A_75 : memref<1x200xi32, #tpu.memory_space<vmem>> -> memref<200xi32, #tpu.memory_space<vmem>>
    %dma_start3A_77 = arith.constant 0 : i32
    %dma_start3A_78 = arith.constant 0 : i32
    %dma_start3A_79 = tpu.memref_slice %arg2[%dma_start3A_77, %dma_start3A_78] : memref<100000x32xf32, #tpu.memory_space<hbm>> -> memref<100000x32xf32, #tpu.memory_space<hbm>>
    tpu.enqueue_indirect_dma source(%dma_start3A_79 : memref<100000x32xf32, #tpu.memory_space<hbm>>) target(%dma_start3A_73 : memref<200x32xf32, #tpu.memory_space<vmem>>) offsets(%dma_start3A_76 : memref<200xi32, #tpu.memory_space<vmem>>) semaphore(%arg11 : memref<!tpu.dma_semaphore, #tpu.memory_space<semaphore_mem>>)
    %dma_start3A_80 = arith.constant 6 : i32
    %dma_start3A_81 = arith.constant 1200 : i32
    %dma_start3A_82 = arith.constant 0 : i32
    %dma_start3A_83 = tpu.memref_slice %arg8[%dma_start3A_81, %dma_start3A_82] : memref<1600x32xf32, #tpu.memory_space<vmem>> -> memref<200x32xf32, #tpu.memory_space<vmem>>
    %dma_start3A_84 = arith.constant 0 : i32
    %dma_start3A_85 = tpu.memref_slice %arg6[%dma_start3A_80, %dma_start3A_84] : memref<8x200xi32, #tpu.memory_space<vmem>> -> memref<1x200xi32, #tpu.memory_space<vmem>>
    %dma_start3A_86 = tpu.memref_squeeze %dma_start3A_85 : memref<1x200xi32, #tpu.memory_space<vmem>> -> memref<200xi32, #tpu.memory_space<vmem>>
    %dma_start3A_87 = arith.constant 0 : i32
    %dma_start3A_88 = arith.constant 0 : i32
    %dma_start3A_89 = tpu.memref_slice %arg2[%dma_start3A_87, %dma_start3A_88] : memref<100000x32xf32, #tpu.memory_space<hbm>> -> memref<100000x32xf32, #tpu.memory_space<hbm>>
    tpu.enqueue_indirect_dma source(%dma_start3A_89 : memref<100000x32xf32, #tpu.memory_space<hbm>>) target(%dma_start3A_83 : memref<200x32xf32, #tpu.memory_space<vmem>>) offsets(%dma_start3A_86 : memref<200xi32, #tpu.memory_space<vmem>>) semaphore(%arg11 : memref<!tpu.dma_semaphore, #tpu.memory_space<semaphore_mem>>)
    %dma_start3A_90 = arith.constant 7 : i32
    %dma_start3A_91 = arith.constant 1400 : i32
    %dma_start3A_92 = arith.constant 0 : i32
    %dma_start3A_93 = tpu.memref_slice %arg8[%dma_start3A_91, %dma_start3A_92] : memref<1600x32xf32, #tpu.memory_space<vmem>> -> memref<200x32xf32, #tpu.memory_space<vmem>>
    %dma_start3A_94 = arith.constant 0 : i32
    %dma_start3A_95 = tpu.memref_slice %arg6[%dma_start3A_90, %dma_start3A_94] : memref<8x200xi32, #tpu.memory_space<vmem>> -> memref<1x200xi32, #tpu.memory_space<vmem>>
    %dma_start3A_96 = tpu.memref_squeeze %dma_start3A_95 : memref<1x200xi32, #tpu.memory_space<vmem>> -> memref<200xi32, #tpu.memory_space<vmem>>
    %dma_start3A_97 = arith.constant 0 : i32
    %dma_start3A_98 = arith.constant 0 : i32
    %dma_start3A_99 = tpu.memref_slice %arg2[%dma_start3A_97, %dma_start3A_98] : memref<100000x32xf32, #tpu.memory_space<hbm>> -> memref<100000x32xf32, #tpu.memory_space<hbm>>
    tpu.enqueue_indirect_dma source(%dma_start3A_99 : memref<100000x32xf32, #tpu.memory_space<hbm>>) target(%dma_start3A_93 : memref<200x32xf32, #tpu.memory_space<vmem>>) offsets(%dma_start3A_96 : memref<200xi32, #tpu.memory_space<vmem>>) semaphore(%arg11 : memref<!tpu.dma_semaphore, #tpu.memory_space<semaphore_mem>>)
    %scan3A = arith.constant 0 : i32
    %scan3A_100 = arith.constant 8 : i32
    %scan3A_101 = arith.addi %scan3A, %scan3A_100 : i32
    %scan3A_102 = arith.constant 1 : i32
    scf.for %scan3A_115 = %scan3A to %scan3A_101 step %scan3A_102  : i32 {
      %mul3A_116 = arith.constant 2 : i32
      %mul3A_117 = arith.muli %scan3A_115, %mul3A_116 : i32
      %add3A_118 = arith.constant 0 : i32
      %add3A_119 = arith.addi %add3A_118, %mul3A_117 : i32
      %add3A_120 = arith.constant 0 : i32
      %add3A_121 = arith.addi %add3A_119, %add3A_120 : i32
      %add3A_122 = arith.constant 1 : i32
      %add3A_123 = arith.addi %add3A_121, %add3A_122 : i32
      %lt3A = arith.constant 16 : i32
      %lt3A_124 = arith.cmpi slt, %add3A_123, %lt3A : i32
      %convert_element_type3A = arith.extui %lt3A_124 : i1 to i32
      %cond3A = arith.constant 0 : i32
      %cond3A_125 = arith.cmpi ne, %convert_element_type3A, %cond3A : i32
      scf.if %cond3A_125 {
        %ge3A = arith.constant 2 : i32
        %ge3A_319 = arith.cmpi sge, %add3A_123, %ge3A : i32
        %convert_element_type3A_320 = arith.extui %ge3A_319 : i1 to i32
        %cond3A_321 = arith.constant 0 : i32
        %cond3A_322 = arith.cmpi ne, %convert_element_type3A_320, %cond3A_321 : i32
        scf.if %cond3A_322 {
          %sub3A_430 = arith.constant 2 : i32
          %sub3A_431 = arith.subi %add3A_123, %sub3A_430 : i32
          %mul3A_432 = arith.constant 1600 : i32
          %mul3A_433 = arith.muli %sub3A_431, %mul3A_432 : i32
          %add3A_434 = arith.addi %mul3A_2, %mul3A_433 : i32
          %dma_wait3A_435 = arith.constant 0 : i32
          %dma_wait3A_436 = tpu.memref_slice %arg5[%add3A_434, %dma_wait3A_435] : memref<819200x128xf32, #tpu.memory_space<hbm>> -> memref<1600x32xf32, #tpu.memory_space<hbm>>
          %dma_wait3A_437 = arith.constant 0 : i32
          %dma_wait3A_438 = tpu.memref_slice %arg5[%add3A_434, %dma_wait3A_437] : memref<819200x128xf32, #tpu.memory_space<hbm>> -> memref<1600x32xf32, #tpu.memory_space<hbm>>
          tpu.wait_dma2 semaphore(%arg14 : memref<!tpu.dma_semaphore, #tpu.memory_space<semaphore_mem>>) src(%arg9 : memref<1600x32xf32, #tpu.memory_space<vmem>>) dst(%dma_wait3A_438 : memref<1600x32xf32, #tpu.memory_space<hbm>>)
        } else {
        }
        %mul3A_323 = arith.constant 1600 : i32
        %mul3A_324 = arith.muli %add3A_123, %mul3A_323 : i32
        %add3A_325 = arith.addi %mul3A_2, %mul3A_324 : i32
        %jit3A_326 = arith.constant 200 : i32
        %div3A_327 = arith.divsi %add3A_325, %jit3A_326 : i32
        %sign3A_328 = arith.constant 0 : i32
        %sign3A_329 = arith.cmpi sgt, %add3A_325, %sign3A_328 : i32
        %sign3A_330 = arith.extui %sign3A_329 : i1 to i32
        %sign3A_331 = arith.constant 0 : i32
        %sign3A_332 = arith.cmpi slt, %add3A_325, %sign3A_331 : i32
        %sign3A_333 = arith.extui %sign3A_332 : i1 to i32
        %sign3A_334 = arith.subi %sign3A_330, %sign3A_333 : i32
        %sign3A_335 = arith.constant 0 : i32
        %sign3A_336 = arith.cmpi sgt, %jit3A_326, %sign3A_335 : i32
        %sign3A_337 = arith.extui %sign3A_336 : i1 to i32
        %sign3A_338 = arith.constant 0 : i32
        %sign3A_339 = arith.cmpi slt, %jit3A_326, %sign3A_338 : i32
        %sign3A_340 = arith.extui %sign3A_339 : i1 to i32
        %sign3A_341 = arith.subi %sign3A_337, %sign3A_340 : i32
        %ne3A_342 = arith.cmpi ne, %sign3A_334, %sign3A_341 : i32
        %rem3A_343 = arith.remsi %add3A_325, %jit3A_326 : i32
        %ne3A_344 = arith.constant 0 : i32
        %ne3A_345 = arith.cmpi ne, %rem3A_343, %ne3A_344 : i32
        %and3A_346 = arith.andi %ne3A_342, %ne3A_345 : i1
        %sub3A_347 = arith.constant 1 : i32
        %sub3A_348 = arith.subi %div3A_327, %sub3A_347 : i32
        %select_n3A_349 = arith.select %and3A_346, %sub3A_348, %div3A_327 : i32
        "tpu.region"() ({
          %run_scoped3A = tpu.sem_alloc : memref<!tpu.dma_semaphore, #tpu.memory_space<semaphore_mem>>
          %dma_start3A_430 = arith.constant 0 : i32
          %dma_start3A_431 = tpu.memref_slice %arg3[%select_n3A_349, %dma_start3A_430] : memref<4096x200xi32, #tpu.memory_space<hbm>> -> memref<8x200xi32, #tpu.memory_space<hbm>>
          %dma_start3A_432 = arith.constant 0 : i32
          %dma_start3A_433 = tpu.memref_slice %arg3[%select_n3A_349, %dma_start3A_432] : memref<4096x200xi32, #tpu.memory_space<hbm>> -> memref<8x200xi32, #tpu.memory_space<hbm>>
          tpu.enqueue_dma source(%dma_start3A_433 : memref<8x200xi32, #tpu.memory_space<hbm>>) target(%arg7 : memref<8x200xi32, #tpu.memory_space<vmem>>) target_semaphore(%run_scoped3A : memref<!tpu.dma_semaphore, #tpu.memory_space<semaphore_mem>>)
          %dma_wait3A_434 = arith.constant 0 : i32
          %dma_wait3A_435 = tpu.memref_slice %arg3[%select_n3A_349, %dma_wait3A_434] : memref<4096x200xi32, #tpu.memory_space<hbm>> -> memref<8x200xi32, #tpu.memory_space<hbm>>
          %dma_wait3A_436 = arith.constant 0 : i32
          %dma_wait3A_437 = tpu.memref_slice %arg3[%select_n3A_349, %dma_wait3A_436] : memref<4096x200xi32, #tpu.memory_space<hbm>> -> memref<8x200xi32, #tpu.memory_space<hbm>>
          tpu.wait_dma2 semaphore(%run_scoped3A : memref<!tpu.dma_semaphore, #tpu.memory_space<semaphore_mem>>) src(%dma_wait3A_437 : memref<8x200xi32, #tpu.memory_space<hbm>>) dst(%arg7 : memref<8x200xi32, #tpu.memory_space<vmem>>)
          tpu.yield
        }) : () -> ()
        %dma_start3A_350 = arith.constant 0 : i32
        %dma_start3A_351 = arith.constant 0 : i32
        %dma_start3A_352 = arith.constant 0 : i32
        %dma_start3A_353 = tpu.memref_slice %arg9[%dma_start3A_351, %dma_start3A_352] : memref<1600x32xf32, #tpu.memory_space<vmem>> -> memref<200x32xf32, #tpu.memory_space<vmem>>
        %dma_start3A_354 = arith.constant 0 : i32
        %dma_start3A_355 = tpu.memref_slice %arg7[%dma_start3A_350, %dma_start3A_354] : memref<8x200xi32, #tpu.memory_space<vmem>> -> memref<1x200xi32, #tpu.memory_space<vmem>>
        %dma_start3A_356 = tpu.memref_squeeze %dma_start3A_355 : memref<1x200xi32, #tpu.memory_space<vmem>> -> memref<200xi32, #tpu.memory_space<vmem>>
        %dma_start3A_357 = arith.constant 0 : i32
        %dma_start3A_358 = arith.constant 0 : i32
        %dma_start3A_359 = tpu.memref_slice %arg2[%dma_start3A_357, %dma_start3A_358] : memref<100000x32xf32, #tpu.memory_space<hbm>> -> memref<100000x32xf32, #tpu.memory_space<hbm>>
        tpu.enqueue_indirect_dma source(%dma_start3A_359 : memref<100000x32xf32, #tpu.memory_space<hbm>>) target(%dma_start3A_353 : memref<200x32xf32, #tpu.memory_space<vmem>>) offsets(%dma_start3A_356 : memref<200xi32, #tpu.memory_space<vmem>>) semaphore(%arg12 : memref<!tpu.dma_semaphore, #tpu.memory_space<semaphore_mem>>)
        %dma_start3A_360 = arith.constant 1 : i32
        %dma_start3A_361 = arith.constant 200 : i32
        %dma_start3A_362 = arith.constant 0 : i32
        %dma_start3A_363 = tpu.memref_slice %arg9[%dma_start3A_361, %dma_start3A_362] : memref<1600x32xf32, #tpu.memory_space<vmem>> -> memref<200x32xf32, #tpu.memory_space<vmem>>
        %dma_start3A_364 = arith.constant 0 : i32
        %dma_start3A_365 = tpu.memref_slice %arg7[%dma_start3A_360, %dma_start3A_364] : memref<8x200xi32, #tpu.memory_space<vmem>> -> memref<1x200xi32, #tpu.memory_space<vmem>>
        %dma_start3A_366 = tpu.memref_squeeze %dma_start3A_365 : memref<1x200xi32, #tpu.memory_space<vmem>> -> memref<200xi32, #tpu.memory_space<vmem>>
        %dma_start3A_367 = arith.constant 0 : i32
        %dma_start3A_368 = arith.constant 0 : i32
        %dma_start3A_369 = tpu.memref_slice %arg2[%dma_start3A_367, %dma_start3A_368] : memref<100000x32xf32, #tpu.memory_space<hbm>> -> memref<100000x32xf32, #tpu.memory_space<hbm>>
        tpu.enqueue_indirect_dma source(%dma_start3A_369 : memref<100000x32xf32, #tpu.memory_space<hbm>>) target(%dma_start3A_363 : memref<200x32xf32, #tpu.memory_space<vmem>>) offsets(%dma_start3A_366 : memref<200xi32, #tpu.memory_space<vmem>>) semaphore(%arg12 : memref<!tpu.dma_semaphore, #tpu.memory_space<semaphore_mem>>)
        %dma_start3A_370 = arith.constant 2 : i32
        %dma_start3A_371 = arith.constant 400 : i32
        %dma_start3A_372 = arith.constant 0 : i32
        %dma_start3A_373 = tpu.memref_slice %arg9[%dma_start3A_371, %dma_start3A_372] : memref<1600x32xf32, #tpu.memory_space<vmem>> -> memref<200x32xf32, #tpu.memory_space<vmem>>
        %dma_start3A_374 = arith.constant 0 : i32
        %dma_start3A_375 = tpu.memref_slice %arg7[%dma_start3A_370, %dma_start3A_374] : memref<8x200xi32, #tpu.memory_space<vmem>> -> memref<1x200xi32, #tpu.memory_space<vmem>>
        %dma_start3A_376 = tpu.memref_squeeze %dma_start3A_375 : memref<1x200xi32, #tpu.memory_space<vmem>> -> memref<200xi32, #tpu.memory_space<vmem>>
        %dma_start3A_377 = arith.constant 0 : i32
        %dma_start3A_378 = arith.constant 0 : i32
        %dma_start3A_379 = tpu.memref_slice %arg2[%dma_start3A_377, %dma_start3A_378] : memref<100000x32xf32, #tpu.memory_space<hbm>> -> memref<100000x32xf32, #tpu.memory_space<hbm>>
        tpu.enqueue_indirect_dma source(%dma_start3A_379 : memref<100000x32xf32, #tpu.memory_space<hbm>>) target(%dma_start3A_373 : memref<200x32xf32, #tpu.memory_space<vmem>>) offsets(%dma_start3A_376 : memref<200xi32, #tpu.memory_space<vmem>>) semaphore(%arg12 : memref<!tpu.dma_semaphore, #tpu.memory_space<semaphore_mem>>)
        %dma_start3A_380 = arith.constant 3 : i32
        %dma_start3A_381 = arith.constant 600 : i32
        %dma_start3A_382 = arith.constant 0 : i32
        %dma_start3A_383 = tpu.memref_slice %arg9[%dma_start3A_381, %dma_start3A_382] : memref<1600x32xf32, #tpu.memory_space<vmem>> -> memref<200x32xf32, #tpu.memory_space<vmem>>
        %dma_start3A_384 = arith.constant 0 : i32
        %dma_start3A_385 = tpu.memref_slice %arg7[%dma_start3A_380, %dma_start3A_384] : memref<8x200xi32, #tpu.memory_space<vmem>> -> memref<1x200xi32, #tpu.memory_space<vmem>>
        %dma_start3A_386 = tpu.memref_squeeze %dma_start3A_385 : memref<1x200xi32, #tpu.memory_space<vmem>> -> memref<200xi32, #tpu.memory_space<vmem>>
        %dma_start3A_387 = arith.constant 0 : i32
        %dma_start3A_388 = arith.constant 0 : i32
        %dma_start3A_389 = tpu.memref_slice %arg2[%dma_start3A_387, %dma_start3A_388] : memref<100000x32xf32, #tpu.memory_space<hbm>> -> memref<100000x32xf32, #tpu.memory_space<hbm>>
        tpu.enqueue_indirect_dma source(%dma_start3A_389 : memref<100000x32xf32, #tpu.memory_space<hbm>>) target(%dma_start3A_383 : memref<200x32xf32, #tpu.memory_space<vmem>>) offsets(%dma_start3A_386 : memref<200xi32, #tpu.memory_space<vmem>>) semaphore(%arg12 : memref<!tpu.dma_semaphore, #tpu.memory_space<semaphore_mem>>)
        %dma_start3A_390 = arith.constant 4 : i32
        %dma_start3A_391 = arith.constant 800 : i32
        %dma_start3A_392 = arith.constant 0 : i32
        %dma_start3A_393 = tpu.memref_slice %arg9[%dma_start3A_391, %dma_start3A_392] : memref<1600x32xf32, #tpu.memory_space<vmem>> -> memref<200x32xf32, #tpu.memory_space<vmem>>
        %dma_start3A_394 = arith.constant 0 : i32
        %dma_start3A_395 = tpu.memref_slice %arg7[%dma_start3A_390, %dma_start3A_394] : memref<8x200xi32, #tpu.memory_space<vmem>> -> memref<1x200xi32, #tpu.memory_space<vmem>>
        %dma_start3A_396 = tpu.memref_squeeze %dma_start3A_395 : memref<1x200xi32, #tpu.memory_space<vmem>> -> memref<200xi32, #tpu.memory_space<vmem>>
        %dma_start3A_397 = arith.constant 0 : i32
        %dma_start3A_398 = arith.constant 0 : i32
        %dma_start3A_399 = tpu.memref_slice %arg2[%dma_start3A_397, %dma_start3A_398] : memref<100000x32xf32, #tpu.memory_space<hbm>> -> memref<100000x32xf32, #tpu.memory_space<hbm>>
        tpu.enqueue_indirect_dma source(%dma_start3A_399 : memref<100000x32xf32, #tpu.memory_space<hbm>>) target(%dma_start3A_393 : memref<200x32xf32, #tpu.memory_space<vmem>>) offsets(%dma_start3A_396 : memref<200xi32, #tpu.memory_space<vmem>>) semaphore(%arg12 : memref<!tpu.dma_semaphore, #tpu.memory_space<semaphore_mem>>)
        %dma_start3A_400 = arith.constant 5 : i32
        %dma_start3A_401 = arith.constant 1000 : i32
        %dma_start3A_402 = arith.constant 0 : i32
        %dma_start3A_403 = tpu.memref_slice %arg9[%dma_start3A_401, %dma_start3A_402] : memref<1600x32xf32, #tpu.memory_space<vmem>> -> memref<200x32xf32, #tpu.memory_space<vmem>>
        %dma_start3A_404 = arith.constant 0 : i32
        %dma_start3A_405 = tpu.memref_slice %arg7[%dma_start3A_400, %dma_start3A_404] : memref<8x200xi32, #tpu.memory_space<vmem>> -> memref<1x200xi32, #tpu.memory_space<vmem>>
        %dma_start3A_406 = tpu.memref_squeeze %dma_start3A_405 : memref<1x200xi32, #tpu.memory_space<vmem>> -> memref<200xi32, #tpu.memory_space<vmem>>
        %dma_start3A_407 = arith.constant 0 : i32
        %dma_start3A_408 = arith.constant 0 : i32
        %dma_start3A_409 = tpu.memref_slice %arg2[%dma_start3A_407, %dma_start3A_408] : memref<100000x32xf32, #tpu.memory_space<hbm>> -> memref<100000x32xf32, #tpu.memory_space<hbm>>
        tpu.enqueue_indirect_dma source(%dma_start3A_409 : memref<100000x32xf32, #tpu.memory_space<hbm>>) target(%dma_start3A_403 : memref<200x32xf32, #tpu.memory_space<vmem>>) offsets(%dma_start3A_406 : memref<200xi32, #tpu.memory_space<vmem>>) semaphore(%arg12 : memref<!tpu.dma_semaphore, #tpu.memory_space<semaphore_mem>>)
        %dma_start3A_410 = arith.constant 6 : i32
        %dma_start3A_411 = arith.constant 1200 : i32
        %dma_start3A_412 = arith.constant 0 : i32
        %dma_start3A_413 = tpu.memref_slice %arg9[%dma_start3A_411, %dma_start3A_412] : memref<1600x32xf32, #tpu.memory_space<vmem>> -> memref<200x32xf32, #tpu.memory_space<vmem>>
        %dma_start3A_414 = arith.constant 0 : i32
        %dma_start3A_415 = tpu.memref_slice %arg7[%dma_start3A_410, %dma_start3A_414] : memref<8x200xi32, #tpu.memory_space<vmem>> -> memref<1x200xi32, #tpu.memory_space<vmem>>
        %dma_start3A_416 = tpu.memref_squeeze %dma_start3A_415 : memref<1x200xi32, #tpu.memory_space<vmem>> -> memref<200xi32, #tpu.memory_space<vmem>>
        %dma_start3A_417 = arith.constant 0 : i32
        %dma_start3A_418 = arith.constant 0 : i32
        %dma_start3A_419 = tpu.memref_slice %arg2[%dma_start3A_417, %dma_start3A_418] : memref<100000x32xf32, #tpu.memory_space<hbm>> -> memref<100000x32xf32, #tpu.memory_space<hbm>>
        tpu.enqueue_indirect_dma source(%dma_start3A_419 : memref<100000x32xf32, #tpu.memory_space<hbm>>) target(%dma_start3A_413 : memref<200x32xf32, #tpu.memory_space<vmem>>) offsets(%dma_start3A_416 : memref<200xi32, #tpu.memory_space<vmem>>) semaphore(%arg12 : memref<!tpu.dma_semaphore, #tpu.memory_space<semaphore_mem>>)
        %dma_start3A_420 = arith.constant 7 : i32
        %dma_start3A_421 = arith.constant 1400 : i32
        %dma_start3A_422 = arith.constant 0 : i32
        %dma_start3A_423 = tpu.memref_slice %arg9[%dma_start3A_421, %dma_start3A_422] : memref<1600x32xf32, #tpu.memory_space<vmem>> -> memref<200x32xf32, #tpu.memory_space<vmem>>
        %dma_start3A_424 = arith.constant 0 : i32
        %dma_start3A_425 = tpu.memref_slice %arg7[%dma_start3A_420, %dma_start3A_424] : memref<8x200xi32, #tpu.memory_space<vmem>> -> memref<1x200xi32, #tpu.memory_space<vmem>>
        %dma_start3A_426 = tpu.memref_squeeze %dma_start3A_425 : memref<1x200xi32, #tpu.memory_space<vmem>> -> memref<200xi32, #tpu.memory_space<vmem>>
        %dma_start3A_427 = arith.constant 0 : i32
        %dma_start3A_428 = arith.constant 0 : i32
        %dma_start3A_429 = tpu.memref_slice %arg2[%dma_start3A_427, %dma_start3A_428] : memref<100000x32xf32, #tpu.memory_space<hbm>> -> memref<100000x32xf32, #tpu.memory_space<hbm>>
        tpu.enqueue_indirect_dma source(%dma_start3A_429 : memref<100000x32xf32, #tpu.memory_space<hbm>>) target(%dma_start3A_423 : memref<200x32xf32, #tpu.memory_space<vmem>>) offsets(%dma_start3A_426 : memref<200xi32, #tpu.memory_space<vmem>>) semaphore(%arg12 : memref<!tpu.dma_semaphore, #tpu.memory_space<semaphore_mem>>)
      } else {
      }
      %dma_wait3A_126 = arith.constant 0 : i32
      %dma_wait3A_127 = arith.constant 0 : i32
      %dma_wait3A_128 = arith.constant 0 : i32
      %dma_wait3A_129 = tpu.memref_slice %arg8[%dma_wait3A_127, %dma_wait3A_128] : memref<1600x32xf32, #tpu.memory_space<vmem>> -> memref<200x32xf32, #tpu.memory_space<vmem>>
      %dma_wait3A_130 = arith.constant 0 : i32
      %dma_wait3A_131 = tpu.memref_slice %arg6[%dma_wait3A_126, %dma_wait3A_130] : memref<8x200xi32, #tpu.memory_space<vmem>> -> memref<1x200xi32, #tpu.memory_space<vmem>>
      %dma_wait3A_132 = tpu.memref_squeeze %dma_wait3A_131 : memref<1x200xi32, #tpu.memory_space<vmem>> -> memref<200xi32, #tpu.memory_space<vmem>>
      %dma_wait3A_133 = arith.constant 0 : i32
      %dma_wait3A_134 = arith.constant 0 : i32
      %dma_wait3A_135 = tpu.memref_slice %arg2[%dma_wait3A_133, %dma_wait3A_134] : memref<100000x32xf32, #tpu.memory_space<hbm>> -> memref<100000x32xf32, #tpu.memory_space<hbm>>
      tpu.wait_indirect_dma semaphore(%arg11 : memref<!tpu.dma_semaphore, #tpu.memory_space<semaphore_mem>>) src(%dma_wait3A_135 : memref<100000x32xf32, #tpu.memory_space<hbm>>) dst(%dma_wait3A_129 : memref<200x32xf32, #tpu.memory_space<vmem>>)
      %dma_wait3A_136 = arith.constant 1 : i32
      %dma_wait3A_137 = arith.constant 200 : i32
      %dma_wait3A_138 = arith.constant 0 : i32
      %dma_wait3A_139 = tpu.memref_slice %arg8[%dma_wait3A_137, %dma_wait3A_138] : memref<1600x32xf32, #tpu.memory_space<vmem>> -> memref<200x32xf32, #tpu.memory_space<vmem>>
      %dma_wait3A_140 = arith.constant 0 : i32
      %dma_wait3A_141 = tpu.memref_slice %arg6[%dma_wait3A_136, %dma_wait3A_140] : memref<8x200xi32, #tpu.memory_space<vmem>> -> memref<1x200xi32, #tpu.memory_space<vmem>>
      %dma_wait3A_142 = tpu.memref_squeeze %dma_wait3A_141 : memref<1x200xi32, #tpu.memory_space<vmem>> -> memref<200xi32, #tpu.memory_space<vmem>>
      %dma_wait3A_143 = arith.constant 0 : i32
      %dma_wait3A_144 = arith.constant 0 : i32
      %dma_wait3A_145 = tpu.memref_slice %arg2[%dma_wait3A_143, %dma_wait3A_144] : memref<100000x32xf32, #tpu.memory_space<hbm>> -> memref<100000x32xf32, #tpu.memory_space<hbm>>
      tpu.wait_indirect_dma semaphore(%arg11 : memref<!tpu.dma_semaphore, #tpu.memory_space<semaphore_mem>>) src(%dma_wait3A_145 : memref<100000x32xf32, #tpu.memory_space<hbm>>) dst(%dma_wait3A_139 : memref<200x32xf32, #tpu.memory_space<vmem>>)
      %dma_wait3A_146 = arith.constant 2 : i32
      %dma_wait3A_147 = arith.constant 400 : i32
      %dma_wait3A_148 = arith.constant 0 : i32
      %dma_wait3A_149 = tpu.memref_slice %arg8[%dma_wait3A_147, %dma_wait3A_148] : memref<1600x32xf32, #tpu.memory_space<vmem>> -> memref<200x32xf32, #tpu.memory_space<vmem>>
      %dma_wait3A_150 = arith.constant 0 : i32
      %dma_wait3A_151 = tpu.memref_slice %arg6[%dma_wait3A_146, %dma_wait3A_150] : memref<8x200xi32, #tpu.memory_space<vmem>> -> memref<1x200xi32, #tpu.memory_space<vmem>>
      %dma_wait3A_152 = tpu.memref_squeeze %dma_wait3A_151 : memref<1x200xi32, #tpu.memory_space<vmem>> -> memref<200xi32, #tpu.memory_space<vmem>>
      %dma_wait3A_153 = arith.constant 0 : i32
      %dma_wait3A_154 = arith.constant 0 : i32
      %dma_wait3A_155 = tpu.memref_slice %arg2[%dma_wait3A_153, %dma_wait3A_154] : memref<100000x32xf32, #tpu.memory_space<hbm>> -> memref<100000x32xf32, #tpu.memory_space<hbm>>
      tpu.wait_indirect_dma semaphore(%arg11 : memref<!tpu.dma_semaphore, #tpu.memory_space<semaphore_mem>>) src(%dma_wait3A_155 : memref<100000x32xf32, #tpu.memory_space<hbm>>) dst(%dma_wait3A_149 : memref<200x32xf32, #tpu.memory_space<vmem>>)
      %dma_wait3A_156 = arith.constant 3 : i32
      %dma_wait3A_157 = arith.constant 600 : i32
      %dma_wait3A_158 = arith.constant 0 : i32
      %dma_wait3A_159 = tpu.memref_slice %arg8[%dma_wait3A_157, %dma_wait3A_158] : memref<1600x32xf32, #tpu.memory_space<vmem>> -> memref<200x32xf32, #tpu.memory_space<vmem>>
      %dma_wait3A_160 = arith.constant 0 : i32
      %dma_wait3A_161 = tpu.memref_slice %arg6[%dma_wait3A_156, %dma_wait3A_160] : memref<8x200xi32, #tpu.memory_space<vmem>> -> memref<1x200xi32, #tpu.memory_space<vmem>>
      %dma_wait3A_162 = tpu.memref_squeeze %dma_wait3A_161 : memref<1x200xi32, #tpu.memory_space<vmem>> -> memref<200xi32, #tpu.memory_space<vmem>>
      %dma_wait3A_163 = arith.constant 0 : i32
      %dma_wait3A_164 = arith.constant 0 : i32
      %dma_wait3A_165 = tpu.memref_slice %arg2[%dma_wait3A_163, %dma_wait3A_164] : memref<100000x32xf32, #tpu.memory_space<hbm>> -> memref<100000x32xf32, #tpu.memory_space<hbm>>
      tpu.wait_indirect_dma semaphore(%arg11 : memref<!tpu.dma_semaphore, #tpu.memory_space<semaphore_mem>>) src(%dma_wait3A_165 : memref<100000x32xf32, #tpu.memory_space<hbm>>) dst(%dma_wait3A_159 : memref<200x32xf32, #tpu.memory_space<vmem>>)
      %dma_wait3A_166 = arith.constant 4 : i32
      %dma_wait3A_167 = arith.constant 800 : i32
      %dma_wait3A_168 = arith.constant 0 : i32
      %dma_wait3A_169 = tpu.memref_slice %arg8[%dma_wait3A_167, %dma_wait3A_168] : memref<1600x32xf32, #tpu.memory_space<vmem>> -> memref<200x32xf32, #tpu.memory_space<vmem>>
      %dma_wait3A_170 = arith.constant 0 : i32
      %dma_wait3A_171 = tpu.memref_slice %arg6[%dma_wait3A_166, %dma_wait3A_170] : memref<8x200xi32, #tpu.memory_space<vmem>> -> memref<1x200xi32, #tpu.memory_space<vmem>>
      %dma_wait3A_172 = tpu.memref_squeeze %dma_wait3A_171 : memref<1x200xi32, #tpu.memory_space<vmem>> -> memref<200xi32, #tpu.memory_space<vmem>>
      %dma_wait3A_173 = arith.constant 0 : i32
      %dma_wait3A_174 = arith.constant 0 : i32
      %dma_wait3A_175 = tpu.memref_slice %arg2[%dma_wait3A_173, %dma_wait3A_174] : memref<100000x32xf32, #tpu.memory_space<hbm>> -> memref<100000x32xf32, #tpu.memory_space<hbm>>
      tpu.wait_indirect_dma semaphore(%arg11 : memref<!tpu.dma_semaphore, #tpu.memory_space<semaphore_mem>>) src(%dma_wait3A_175 : memref<100000x32xf32, #tpu.memory_space<hbm>>) dst(%dma_wait3A_169 : memref<200x32xf32, #tpu.memory_space<vmem>>)
      %dma_wait3A_176 = arith.constant 5 : i32
      %dma_wait3A_177 = arith.constant 1000 : i32
      %dma_wait3A_178 = arith.constant 0 : i32
      %dma_wait3A_179 = tpu.memref_slice %arg8[%dma_wait3A_177, %dma_wait3A_178] : memref<1600x32xf32, #tpu.memory_space<vmem>> -> memref<200x32xf32, #tpu.memory_space<vmem>>
      %dma_wait3A_180 = arith.constant 0 : i32
      %dma_wait3A_181 = tpu.memref_slice %arg6[%dma_wait3A_176, %dma_wait3A_180] : memref<8x200xi32, #tpu.memory_space<vmem>> -> memref<1x200xi32, #tpu.memory_space<vmem>>
      %dma_wait3A_182 = tpu.memref_squeeze %dma_wait3A_181 : memref<1x200xi32, #tpu.memory_space<vmem>> -> memref<200xi32, #tpu.memory_space<vmem>>
      %dma_wait3A_183 = arith.constant 0 : i32
      %dma_wait3A_184 = arith.constant 0 : i32
      %dma_wait3A_185 = tpu.memref_slice %arg2[%dma_wait3A_183, %dma_wait3A_184] : memref<100000x32xf32, #tpu.memory_space<hbm>> -> memref<100000x32xf32, #tpu.memory_space<hbm>>
      tpu.wait_indirect_dma semaphore(%arg11 : memref<!tpu.dma_semaphore, #tpu.memory_space<semaphore_mem>>) src(%dma_wait3A_185 : memref<100000x32xf32, #tpu.memory_space<hbm>>) dst(%dma_wait3A_179 : memref<200x32xf32, #tpu.memory_space<vmem>>)
      %dma_wait3A_186 = arith.constant 6 : i32
      %dma_wait3A_187 = arith.constant 1200 : i32
      %dma_wait3A_188 = arith.constant 0 : i32
      %dma_wait3A_189 = tpu.memref_slice %arg8[%dma_wait3A_187, %dma_wait3A_188] : memref<1600x32xf32, #tpu.memory_space<vmem>> -> memref<200x32xf32, #tpu.memory_space<vmem>>
      %dma_wait3A_190 = arith.constant 0 : i32
      %dma_wait3A_191 = tpu.memref_slice %arg6[%dma_wait3A_186, %dma_wait3A_190] : memref<8x200xi32, #tpu.memory_space<vmem>> -> memref<1x200xi32, #tpu.memory_space<vmem>>
      %dma_wait3A_192 = tpu.memref_squeeze %dma_wait3A_191 : memref<1x200xi32, #tpu.memory_space<vmem>> -> memref<200xi32, #tpu.memory_space<vmem>>
      %dma_wait3A_193 = arith.constant 0 : i32
      %dma_wait3A_194 = arith.constant 0 : i32
      %dma_wait3A_195 = tpu.memref_slice %arg2[%dma_wait3A_193, %dma_wait3A_194] : memref<100000x32xf32, #tpu.memory_space<hbm>> -> memref<100000x32xf32, #tpu.memory_space<hbm>>
      tpu.wait_indirect_dma semaphore(%arg11 : memref<!tpu.dma_semaphore, #tpu.memory_space<semaphore_mem>>) src(%dma_wait3A_195 : memref<100000x32xf32, #tpu.memory_space<hbm>>) dst(%dma_wait3A_189 : memref<200x32xf32, #tpu.memory_space<vmem>>)
      %dma_wait3A_196 = arith.constant 7 : i32
      %dma_wait3A_197 = arith.constant 1400 : i32
      %dma_wait3A_198 = arith.constant 0 : i32
      %dma_wait3A_199 = tpu.memref_slice %arg8[%dma_wait3A_197, %dma_wait3A_198] : memref<1600x32xf32, #tpu.memory_space<vmem>> -> memref<200x32xf32, #tpu.memory_space<vmem>>
      %dma_wait3A_200 = arith.constant 0 : i32
      %dma_wait3A_201 = tpu.memref_slice %arg6[%dma_wait3A_196, %dma_wait3A_200] : memref<8x200xi32, #tpu.memory_space<vmem>> -> memref<1x200xi32, #tpu.memory_space<vmem>>
      %dma_wait3A_202 = tpu.memref_squeeze %dma_wait3A_201 : memref<1x200xi32, #tpu.memory_space<vmem>> -> memref<200xi32, #tpu.memory_space<vmem>>
      %dma_wait3A_203 = arith.constant 0 : i32
      %dma_wait3A_204 = arith.constant 0 : i32
      %dma_wait3A_205 = tpu.memref_slice %arg2[%dma_wait3A_203, %dma_wait3A_204] : memref<100000x32xf32, #tpu.memory_space<hbm>> -> memref<100000x32xf32, #tpu.memory_space<hbm>>
      tpu.wait_indirect_dma semaphore(%arg11 : memref<!tpu.dma_semaphore, #tpu.memory_space<semaphore_mem>>) src(%dma_wait3A_205 : memref<100000x32xf32, #tpu.memory_space<hbm>>) dst(%dma_wait3A_199 : memref<200x32xf32, #tpu.memory_space<vmem>>)
      %scan3A_206 = arith.constant 0 : i32
      %scan3A_207 = arith.constant 200 : i32
      %scan3A_208 = arith.addi %scan3A_206, %scan3A_207 : i32
      %scan3A_209 = arith.constant 1 : i32
      scf.for %scan3A_319 = %scan3A_206 to %scan3A_208 step %scan3A_209  : i32 {
        %mul3A_320 = arith.constant 1 : i32
        %mul3A_321 = arith.muli %scan3A_319, %mul3A_320 : i32
        %add3A_322 = arith.constant 0 : i32
        %add3A_323 = arith.addi %add3A_322, %mul3A_321 : i32
        %get3A = arith.index_cast %add3A_323 : i32 to index
        %get3A_324 = arith.constant 0 : index
        %get3A_325 = tpu.vector_load %arg10[%get3A, %get3A_324] {strides = array<i32>} : memref<200x32xf32, #tpu.memory_space<vmem>>, vector<1x16xf32>,
        %get3A_326 = vector.shape_cast %get3A_325 : vector<1x16xf32> to vector<16xf32>
        %add3A_327 = arith.constant 0 : i32
        %add3A_328 = arith.addi %add3A_327, %add3A_323 : i32
        %swap3A = arith.index_cast %add3A_328 : i32 to index
        %swap3A_329 = arith.constant 0 : index
        %swap3A_330 = tpu.vector_load %arg8[%swap3A, %swap3A_329] {strides = array<i32>} : memref<1600x32xf32, #tpu.memory_space<vmem>>, vector<1x16xf32>,
        %swap3A_331 = vector.shape_cast %swap3A_330 : vector<1x16xf32> to vector<16xf32>
        %swap3A_332 = vector.shape_cast %get3A_326 : vector<16xf32> to vector<1x16xf32>
        tpu.vector_store %arg8[%swap3A, %swap3A_329], %swap3A_332 {add = true, strides = array<i32>} : memref<1600x32xf32, #tpu.memory_space<vmem>>, vector<1x16xf32>,
        %add3A_333 = arith.constant 200 : i32
        %add3A_334 = arith.addi %add3A_333, %add3A_323 : i32
        %swap3A_335 = arith.index_cast %add3A_334 : i32 to index
        %swap3A_336 = arith.constant 0 : index
        %swap3A_337 = tpu.vector_load %arg8[%swap3A_335, %swap3A_336] {strides = array<i32>} : memref<1600x32xf32, #tpu.memory_space<vmem>>, vector<1x16xf32>,
        %swap3A_338 = vector.shape_cast %swap3A_337 : vector<1x16xf32> to vector<16xf32>
        %swap3A_339 = vector.shape_cast %get3A_326 : vector<16xf32> to vector<1x16xf32>
        tpu.vector_store %arg8[%swap3A_335, %swap3A_336], %swap3A_339 {add = true, strides = array<i32>} : memref<1600x32xf32, #tpu.memory_space<vmem>>, vector<1x16xf32>,
        %add3A_340 = arith.constant 400 : i32
        %add3A_341 = arith.addi %add3A_340, %add3A_323 : i32
        %swap3A_342 = arith.index_cast %add3A_341 : i32 to index
        %swap3A_343 = arith.constant 0 : index
        %swap3A_344 = tpu.vector_load %arg8[%swap3A_342, %swap3A_343] {strides = array<i32>} : memref<1600x32xf32, #tpu.memory_space<vmem>>, vector<1x16xf32>,
        %swap3A_345 = vector.shape_cast %swap3A_344 : vector<1x16xf32> to vector<16xf32>
        %swap3A_346 = vector.shape_cast %get3A_326 : vector<16xf32> to vector<1x16xf32>
        tpu.vector_store %arg8[%swap3A_342, %swap3A_343], %swap3A_346 {add = true, strides = array<i32>} : memref<1600x32xf32, #tpu.memory_space<vmem>>, vector<1x16xf32>,
        %add3A_347 = arith.constant 600 : i32
        %add3A_348 = arith.addi %add3A_347, %add3A_323 : i32
        %swap3A_349 = arith.index_cast %add3A_348 : i32 to index
        %swap3A_350 = arith.constant 0 : index
        %swap3A_351 = tpu.vector_load %arg8[%swap3A_349, %swap3A_350] {strides = array<i32>} : memref<1600x32xf32, #tpu.memory_space<vmem>>, vector<1x16xf32>,
        %swap3A_352 = vector.shape_cast %swap3A_351 : vector<1x16xf32> to vector<16xf32>
        %swap3A_353 = vector.shape_cast %get3A_326 : vector<16xf32> to vector<1x16xf32>
        tpu.vector_store %arg8[%swap3A_349, %swap3A_350], %swap3A_353 {add = true, strides = array<i32>} : memref<1600x32xf32, #tpu.memory_space<vmem>>, vector<1x16xf32>,
        %add3A_354 = arith.constant 800 : i32
        %add3A_355 = arith.addi %add3A_354, %add3A_323 : i32
        %swap3A_356 = arith.index_cast %add3A_355 : i32 to index
        %swap3A_357 = arith.constant 0 : index
        %swap3A_358 = tpu.vector_load %arg8[%swap3A_356, %swap3A_357] {strides = array<i32>} : memref<1600x32xf32, #tpu.memory_space<vmem>>, vector<1x16xf32>,
        %swap3A_359 = vector.shape_cast %swap3A_358 : vector<1x16xf32> to vector<16xf32>
        %swap3A_360 = vector.shape_cast %get3A_326 : vector<16xf32> to vector<1x16xf32>
        tpu.vector_store %arg8[%swap3A_356, %swap3A_357], %swap3A_360 {add = true, strides = array<i32>} : memref<1600x32xf32, #tpu.memory_space<vmem>>, vector<1x16xf32>,
        %add3A_361 = arith.constant 1000 : i32
        %add3A_362 = arith.addi %add3A_361, %add3A_323 : i32
        %swap3A_363 = arith.index_cast %add3A_362 : i32 to index
        %swap3A_364 = arith.constant 0 : index
        %swap3A_365 = tpu.vector_load %arg8[%swap3A_363, %swap3A_364] {strides = array<i32>} : memref<1600x32xf32, #tpu.memory_space<vmem>>, vector<1x16xf32>,
        %swap3A_366 = vector.shape_cast %swap3A_365 : vector<1x16xf32> to vector<16xf32>
        %swap3A_367 = vector.shape_cast %get3A_326 : vector<16xf32> to vector<1x16xf32>
        tpu.vector_store %arg8[%swap3A_363, %swap3A_364], %swap3A_367 {add = true, strides = array<i32>} : memref<1600x32xf32, #tpu.memory_space<vmem>>, vector<1x16xf32>,
        %add3A_368 = arith.constant 1200 : i32
        %add3A_369 = arith.addi %add3A_368, %add3A_323 : i32
        %swap3A_370 = arith.index_cast %add3A_369 : i32 to index
        %swap3A_371 = arith.constant 0 : index
        %swap3A_372 = tpu.vector_load %arg8[%swap3A_370, %swap3A_371] {strides = array<i32>} : memref<1600x32xf32, #tpu.memory_space<vmem>>, vector<1x16xf32>,
        %swap3A_373 = vector.shape_cast %swap3A_372 : vector<1x16xf32> to vector<16xf32>
        %swap3A_374 = vector.shape_cast %get3A_326 : vector<16xf32> to vector<1x16xf32>
        tpu.vector_store %arg8[%swap3A_370, %swap3A_371], %swap3A_374 {add = true, strides = array<i32>} : memref<1600x32xf32, #tpu.memory_space<vmem>>, vector<1x16xf32>,
        %add3A_375 = arith.constant 1400 : i32
        %add3A_376 = arith.addi %add3A_375, %add3A_323 : i32
        %swap3A_377 = arith.index_cast %add3A_376 : i32 to index
        %swap3A_378 = arith.constant 0 : index
        %swap3A_379 = tpu.vector_load %arg8[%swap3A_377, %swap3A_378] {strides = array<i32>} : memref<1600x32xf32, #tpu.memory_space<vmem>>, vector<1x16xf32>,
        %swap3A_380 = vector.shape_cast %swap3A_379 : vector<1x16xf32> to vector<16xf32>
        %swap3A_381 = vector.shape_cast %get3A_326 : vector<16xf32> to vector<1x16xf32>
        tpu.vector_store %arg8[%swap3A_377, %swap3A_378], %swap3A_381 {add = true, strides = array<i32>} : memref<1600x32xf32, #tpu.memory_space<vmem>>, vector<1x16xf32>,
        %get3A_382 = arith.index_cast %add3A_323 : i32 to index
        %get3A_383 = arith.constant 16 : index
        %get3A_384 = tpu.vector_load %arg10[%get3A_382, %get3A_383] {strides = array<i32>} : memref<200x32xf32, #tpu.memory_space<vmem>>, vector<1x16xf32>,
        %get3A_385 = vector.shape_cast %get3A_384 : vector<1x16xf32> to vector<16xf32>
        %add3A_386 = arith.constant 0 : i32
        %add3A_387 = arith.addi %add3A_386, %add3A_323 : i32
        %swap3A_388 = arith.index_cast %add3A_387 : i32 to index
        %swap3A_389 = arith.constant 16 : index
        %swap3A_390 = tpu.vector_load %arg8[%swap3A_388, %swap3A_389] {strides = array<i32>} : memref<1600x32xf32, #tpu.memory_space<vmem>>, vector<1x16xf32>,
        %swap3A_391 = vector.shape_cast %swap3A_390 : vector<1x16xf32> to vector<16xf32>
        %swap3A_392 = vector.shape_cast %get3A_385 : vector<16xf32> to vector<1x16xf32>
        tpu.vector_store %arg8[%swap3A_388, %swap3A_389], %swap3A_392 {add = true, strides = array<i32>} : memref<1600x32xf32, #tpu.memory_space<vmem>>, vector<1x16xf32>,
        %add3A_393 = arith.constant 200 : i32
        %add3A_394 = arith.addi %add3A_393, %add3A_323 : i32
        %swap3A_395 = arith.index_cast %add3A_394 : i32 to index
        %swap3A_396 = arith.constant 16 : index
        %swap3A_397 = tpu.vector_load %arg8[%swap3A_395, %swap3A_396] {strides = array<i32>} : memref<1600x32xf32, #tpu.memory_space<vmem>>, vector<1x16xf32>,
        %swap3A_398 = vector.shape_cast %swap3A_397 : vector<1x16xf32> to vector<16xf32>
        %swap3A_399 = vector.shape_cast %get3A_385 : vector<16xf32> to vector<1x16xf32>
        tpu.vector_store %arg8[%swap3A_395, %swap3A_396], %swap3A_399 {add = true, strides = array<i32>} : memref<1600x32xf32, #tpu.memory_space<vmem>>, vector<1x16xf32>,
        %add3A_400 = arith.constant 400 : i32
        %add3A_401 = arith.addi %add3A_400, %add3A_323 : i32
        %swap3A_402 = arith.index_cast %add3A_401 : i32 to index
        %swap3A_403 = arith.constant 16 : index
        %swap3A_404 = tpu.vector_load %arg8[%swap3A_402, %swap3A_403] {strides = array<i32>} : memref<1600x32xf32, #tpu.memory_space<vmem>>, vector<1x16xf32>,
        %swap3A_405 = vector.shape_cast %swap3A_404 : vector<1x16xf32> to vector<16xf32>
        %swap3A_406 = vector.shape_cast %get3A_385 : vector<16xf32> to vector<1x16xf32>
        tpu.vector_store %arg8[%swap3A_402, %swap3A_403], %swap3A_406 {add = true, strides = array<i32>} : memref<1600x32xf32, #tpu.memory_space<vmem>>, vector<1x16xf32>,
        %add3A_407 = arith.constant 600 : i32
        %add3A_408 = arith.addi %add3A_407, %add3A_323 : i32
        %swap3A_409 = arith.index_cast %add3A_408 : i32 to index
        %swap3A_410 = arith.constant 16 : index
        %swap3A_411 = tpu.vector_load %arg8[%swap3A_409, %swap3A_410] {strides = array<i32>} : memref<1600x32xf32, #tpu.memory_space<vmem>>, vector<1x16xf32>,
        %swap3A_412 = vector.shape_cast %swap3A_411 : vector<1x16xf32> to vector<16xf32>
        %swap3A_413 = vector.shape_cast %get3A_385 : vector<16xf32> to vector<1x16xf32>
        tpu.vector_store %arg8[%swap3A_409, %swap3A_410], %swap3A_413 {add = true, strides = array<i32>} : memref<1600x32xf32, #tpu.memory_space<vmem>>, vector<1x16xf32>,
        %add3A_414 = arith.constant 800 : i32
        %add3A_415 = arith.addi %add3A_414, %add3A_323 : i32
        %swap3A_416 = arith.index_cast %add3A_415 : i32 to index
        %swap3A_417 = arith.constant 16 : index
        %swap3A_418 = tpu.vector_load %arg8[%swap3A_416, %swap3A_417] {strides = array<i32>} : memref<1600x32xf32, #tpu.memory_space<vmem>>, vector<1x16xf32>,
        %swap3A_419 = vector.shape_cast %swap3A_418 : vector<1x16xf32> to vector<16xf32>
        %swap3A_420 = vector.shape_cast %get3A_385 : vector<16xf32> to vector<1x16xf32>
        tpu.vector_store %arg8[%swap3A_416, %swap3A_417], %swap3A_420 {add = true, strides = array<i32>} : memref<1600x32xf32, #tpu.memory_space<vmem>>, vector<1x16xf32>,
        %add3A_421 = arith.constant 1000 : i32
        %add3A_422 = arith.addi %add3A_421, %add3A_323 : i32
        %swap3A_423 = arith.index_cast %add3A_422 : i32 to index
        %swap3A_424 = arith.constant 16 : index
        %swap3A_425 = tpu.vector_load %arg8[%swap3A_423, %swap3A_424] {strides = array<i32>} : memref<1600x32xf32, #tpu.memory_space<vmem>>, vector<1x16xf32>,
        %swap3A_426 = vector.shape_cast %swap3A_425 : vector<1x16xf32> to vector<16xf32>
        %swap3A_427 = vector.shape_cast %get3A_385 : vector<16xf32> to vector<1x16xf32>
        tpu.vector_store %arg8[%swap3A_423, %swap3A_424], %swap3A_427 {add = true, strides = array<i32>} : memref<1600x32xf32, #tpu.memory_space<vmem>>, vector<1x16xf32>,
        %add3A_428 = arith.constant 1200 : i32
        %add3A_429 = arith.addi %add3A_428, %add3A_323 : i32
        %swap3A_430 = arith.index_cast %add3A_429 : i32 to index
        %swap3A_431 = arith.constant 16 : index
        %swap3A_432 = tpu.vector_load %arg8[%swap3A_430, %swap3A_431] {strides = array<i32>} : memref<1600x32xf32, #tpu.memory_space<vmem>>, vector<1x16xf32>,
        %swap3A_433 = vector.shape_cast %swap3A_432 : vector<1x16xf32> to vector<16xf32>
        %swap3A_434 = vector.shape_cast %get3A_385 : vector<16xf32> to vector<1x16xf32>
        tpu.vector_store %arg8[%swap3A_430, %swap3A_431], %swap3A_434 {add = true, strides = array<i32>} : memref<1600x32xf32, #tpu.memory_space<vmem>>, vector<1x16xf32>,
        %add3A_435 = arith.constant 1400 : i32
        %add3A_436 = arith.addi %add3A_435, %add3A_323 : i32
        %swap3A_437 = arith.index_cast %add3A_436 : i32 to index
        %swap3A_438 = arith.constant 16 : index
        %swap3A_439 = tpu.vector_load %arg8[%swap3A_437, %swap3A_438] {strides = array<i32>} : memref<1600x32xf32, #tpu.memory_space<vmem>>, vector<1x16xf32>,
        %swap3A_440 = vector.shape_cast %swap3A_439 : vector<1x16xf32> to vector<16xf32>
        %swap3A_441 = vector.shape_cast %get3A_385 : vector<16xf32> to vector<1x16xf32>
        tpu.vector_store %arg8[%swap3A_437, %swap3A_438], %swap3A_441 {add = true, strides = array<i32>} : memref<1600x32xf32, #tpu.memory_space<vmem>>, vector<1x16xf32>,
      }
      %scan3A_210 = arith.constant 200 : i32
      %mul3A_211 = arith.constant 1600 : i32
      %mul3A_212 = arith.muli %add3A_121, %mul3A_211 : i32
      %add3A_213 = arith.addi %mul3A_2, %mul3A_212 : i32
      %dma_start3A_214 = arith.constant 0 : i32
      %dma_start3A_215 = tpu.memref_slice %arg5[%add3A_213, %dma_start3A_214] : memref<819200x128xf32, #tpu.memory_space<hbm>> -> memref<1600x32xf32, #tpu.memory_space<hbm>>
      %dma_start3A_216 = arith.constant 0 : i32
      %dma_start3A_217 = tpu.memref_slice %arg5[%add3A_213, %dma_start3A_216] : memref<819200x128xf32, #tpu.memory_space<hbm>> -> memref<1600x32xf32, #tpu.memory_space<hbm>>
      tpu.enqueue_dma source(%arg8 : memref<1600x32xf32, #tpu.memory_space<vmem>>) target(%dma_start3A_217 : memref<1600x32xf32, #tpu.memory_space<hbm>>) target_semaphore(%arg13 : memref<!tpu.dma_semaphore, #tpu.memory_space<semaphore_mem>>)
      %add3A_218 = arith.constant 1 : i32
      %add3A_219 = arith.addi %add3A_119, %add3A_218 : i32
      %add3A_220 = arith.constant 1 : i32
      %add3A_221 = arith.addi %add3A_219, %add3A_220 : i32
      %lt3A_222 = arith.constant 16 : i32
      %lt3A_223 = arith.cmpi slt, %add3A_221, %lt3A_222 : i32
      %convert_element_type3A_224 = arith.extui %lt3A_223 : i1 to i32
      %cond3A_225 = arith.constant 0 : i32
      %cond3A_226 = arith.cmpi ne, %convert_element_type3A_224, %cond3A_225 : i32
      scf.if %cond3A_226 {
        %ge3A = arith.constant 2 : i32
        %ge3A_319 = arith.cmpi sge, %add3A_221, %ge3A : i32
        %convert_element_type3A_320 = arith.extui %ge3A_319 : i1 to i32
        %cond3A_321 = arith.constant 0 : i32
        %cond3A_322 = arith.cmpi ne, %convert_element_type3A_320, %cond3A_321 : i32
        scf.if %cond3A_322 {
          %sub3A_430 = arith.constant 2 : i32
          %sub3A_431 = arith.subi %add3A_221, %sub3A_430 : i32
          %mul3A_432 = arith.constant 1600 : i32
          %mul3A_433 = arith.muli %sub3A_431, %mul3A_432 : i32
          %add3A_434 = arith.addi %mul3A_2, %mul3A_433 : i32
          %dma_wait3A_435 = arith.constant 0 : i32
          %dma_wait3A_436 = tpu.memref_slice %arg5[%add3A_434, %dma_wait3A_435] : memref<819200x128xf32, #tpu.memory_space<hbm>> -> memref<1600x32xf32, #tpu.memory_space<hbm>>
          %dma_wait3A_437 = arith.constant 0 : i32
          %dma_wait3A_438 = tpu.memref_slice %arg5[%add3A_434, %dma_wait3A_437] : memref<819200x128xf32, #tpu.memory_space<hbm>> -> memref<1600x32xf32, #tpu.memory_space<hbm>>
          tpu.wait_dma2 semaphore(%arg13 : memref<!tpu.dma_semaphore, #tpu.memory_space<semaphore_mem>>) src(%arg8 : memref<1600x32xf32, #tpu.memory_space<vmem>>) dst(%dma_wait3A_438 : memref<1600x32xf32, #tpu.memory_space<hbm>>)
        } else {
        }
        %mul3A_323 = arith.constant 1600 : i32
        %mul3A_324 = arith.muli %add3A_221, %mul3A_323 : i32
        %add3A_325 = arith.addi %mul3A_2, %mul3A_324 : i32
        %jit3A_326 = arith.constant 200 : i32
        %div3A_327 = arith.divsi %add3A_325, %jit3A_326 : i32
        %sign3A_328 = arith.constant 0 : i32
        %sign3A_329 = arith.cmpi sgt, %add3A_325, %sign3A_328 : i32
        %sign3A_330 = arith.extui %sign3A_329 : i1 to i32
        %sign3A_331 = arith.constant 0 : i32
        %sign3A_332 = arith.cmpi slt, %add3A_325, %sign3A_331 : i32
        %sign3A_333 = arith.extui %sign3A_332 : i1 to i32
        %sign3A_334 = arith.subi %sign3A_330, %sign3A_333 : i32
        %sign3A_335 = arith.constant 0 : i32
        %sign3A_336 = arith.cmpi sgt, %jit3A_326, %sign3A_335 : i32
        %sign3A_337 = arith.extui %sign3A_336 : i1 to i32
        %sign3A_338 = arith.constant 0 : i32
        %sign3A_339 = arith.cmpi slt, %jit3A_326, %sign3A_338 : i32
        %sign3A_340 = arith.extui %sign3A_339 : i1 to i32
        %sign3A_341 = arith.subi %sign3A_337, %sign3A_340 : i32
        %ne3A_342 = arith.cmpi ne, %sign3A_334, %sign3A_341 : i32
        %rem3A_343 = arith.remsi %add3A_325, %jit3A_326 : i32
        %ne3A_344 = arith.constant 0 : i32
        %ne3A_345 = arith.cmpi ne, %rem3A_343, %ne3A_344 : i32
        %and3A_346 = arith.andi %ne3A_342, %ne3A_345 : i1
        %sub3A_347 = arith.constant 1 : i32
        %sub3A_348 = arith.subi %div3A_327, %sub3A_347 : i32
        %select_n3A_349 = arith.select %and3A_346, %sub3A_348, %div3A_327 : i32
        "tpu.region"() ({
          %run_scoped3A = tpu.sem_alloc : memref<!tpu.dma_semaphore, #tpu.memory_space<semaphore_mem>>
          %dma_start3A_430 = arith.constant 0 : i32
          %dma_start3A_431 = tpu.memref_slice %arg3[%select_n3A_349, %dma_start3A_430] : memref<4096x200xi32, #tpu.memory_space<hbm>> -> memref<8x200xi32, #tpu.memory_space<hbm>>
          %dma_start3A_432 = arith.constant 0 : i32
          %dma_start3A_433 = tpu.memref_slice %arg3[%select_n3A_349, %dma_start3A_432] : memref<4096x200xi32, #tpu.memory_space<hbm>> -> memref<8x200xi32, #tpu.memory_space<hbm>>
          tpu.enqueue_dma source(%dma_start3A_433 : memref<8x200xi32, #tpu.memory_space<hbm>>) target(%arg6 : memref<8x200xi32, #tpu.memory_space<vmem>>) target_semaphore(%run_scoped3A : memref<!tpu.dma_semaphore, #tpu.memory_space<semaphore_mem>>)
          %dma_wait3A_434 = arith.constant 0 : i32
          %dma_wait3A_435 = tpu.memref_slice %arg3[%select_n3A_349, %dma_wait3A_434] : memref<4096x200xi32, #tpu.memory_space<hbm>> -> memref<8x200xi32, #tpu.memory_space<hbm>>
          %dma_wait3A_436 = arith.constant 0 : i32
          %dma_wait3A_437 = tpu.memref_slice %arg3[%select_n3A_349, %dma_wait3A_436] : memref<4096x200xi32, #tpu.memory_space<hbm>> -> memref<8x200xi32, #tpu.memory_space<hbm>>
          tpu.wait_dma2 semaphore(%run_scoped3A : memref<!tpu.dma_semaphore, #tpu.memory_space<semaphore_mem>>) src(%dma_wait3A_437 : memref<8x200xi32, #tpu.memory_space<hbm>>) dst(%arg6 : memref<8x200xi32, #tpu.memory_space<vmem>>)
          tpu.yield
        }) : () -> ()
        %dma_start3A_350 = arith.constant 0 : i32
        %dma_start3A_351 = arith.constant 0 : i32
        %dma_start3A_352 = arith.constant 0 : i32
        %dma_start3A_353 = tpu.memref_slice %arg8[%dma_start3A_351, %dma_start3A_352] : memref<1600x32xf32, #tpu.memory_space<vmem>> -> memref<200x32xf32, #tpu.memory_space<vmem>>
        %dma_start3A_354 = arith.constant 0 : i32
        %dma_start3A_355 = tpu.memref_slice %arg6[%dma_start3A_350, %dma_start3A_354] : memref<8x200xi32, #tpu.memory_space<vmem>> -> memref<1x200xi32, #tpu.memory_space<vmem>>
        %dma_start3A_356 = tpu.memref_squeeze %dma_start3A_355 : memref<1x200xi32, #tpu.memory_space<vmem>> -> memref<200xi32, #tpu.memory_space<vmem>>
        %dma_start3A_357 = arith.constant 0 : i32
        %dma_start3A_358 = arith.constant 0 : i32
        %dma_start3A_359 = tpu.memref_slice %arg2[%dma_start3A_357, %dma_start3A_358] : memref<100000x32xf32, #tpu.memory_space<hbm>> -> memref<100000x32xf32, #tpu.memory_space<hbm>>
        tpu.enqueue_indirect_dma source(%dma_start3A_359 : memref<100000x32xf32, #tpu.memory_space<hbm>>) target(%dma_start3A_353 : memref<200x32xf32, #tpu.memory_space<vmem>>) offsets(%dma_start3A_356 : memref<200xi32, #tpu.memory_space<vmem>>) semaphore(%arg11 : memref<!tpu.dma_semaphore, #tpu.memory_space<semaphore_mem>>)
        %dma_start3A_360 = arith.constant 1 : i32
        %dma_start3A_361 = arith.constant 200 : i32
        %dma_start3A_362 = arith.constant 0 : i32
        %dma_start3A_363 = tpu.memref_slice %arg8[%dma_start3A_361, %dma_start3A_362] : memref<1600x32xf32, #tpu.memory_space<vmem>> -> memref<200x32xf32, #tpu.memory_space<vmem>>
        %dma_start3A_364 = arith.constant 0 : i32
        %dma_start3A_365 = tpu.memref_slice %arg6[%dma_start3A_360, %dma_start3A_364] : memref<8x200xi32, #tpu.memory_space<vmem>> -> memref<1x200xi32, #tpu.memory_space<vmem>>
        %dma_start3A_366 = tpu.memref_squeeze %dma_start3A_365 : memref<1x200xi32, #tpu.memory_space<vmem>> -> memref<200xi32, #tpu.memory_space<vmem>>
        %dma_start3A_367 = arith.constant 0 : i32
        %dma_start3A_368 = arith.constant 0 : i32
        %dma_start3A_369 = tpu.memref_slice %arg2[%dma_start3A_367, %dma_start3A_368] : memref<100000x32xf32, #tpu.memory_space<hbm>> -> memref<100000x32xf32, #tpu.memory_space<hbm>>
        tpu.enqueue_indirect_dma source(%dma_start3A_369 : memref<100000x32xf32, #tpu.memory_space<hbm>>) target(%dma_start3A_363 : memref<200x32xf32, #tpu.memory_space<vmem>>) offsets(%dma_start3A_366 : memref<200xi32, #tpu.memory_space<vmem>>) semaphore(%arg11 : memref<!tpu.dma_semaphore, #tpu.memory_space<semaphore_mem>>)
        %dma_start3A_370 = arith.constant 2 : i32
        %dma_start3A_371 = arith.constant 400 : i32
        %dma_start3A_372 = arith.constant 0 : i32
        %dma_start3A_373 = tpu.memref_slice %arg8[%dma_start3A_371, %dma_start3A_372] : memref<1600x32xf32, #tpu.memory_space<vmem>> -> memref<200x32xf32, #tpu.memory_space<vmem>>
        %dma_start3A_374 = arith.constant 0 : i32
        %dma_start3A_375 = tpu.memref_slice %arg6[%dma_start3A_370, %dma_start3A_374] : memref<8x200xi32, #tpu.memory_space<vmem>> -> memref<1x200xi32, #tpu.memory_space<vmem>>
        %dma_start3A_376 = tpu.memref_squeeze %dma_start3A_375 : memref<1x200xi32, #tpu.memory_space<vmem>> -> memref<200xi32, #tpu.memory_space<vmem>>
        %dma_start3A_377 = arith.constant 0 : i32
        %dma_start3A_378 = arith.constant 0 : i32
        %dma_start3A_379 = tpu.memref_slice %arg2[%dma_start3A_377, %dma_start3A_378] : memref<100000x32xf32, #tpu.memory_space<hbm>> -> memref<100000x32xf32, #tpu.memory_space<hbm>>
        tpu.enqueue_indirect_dma source(%dma_start3A_379 : memref<100000x32xf32, #tpu.memory_space<hbm>>) target(%dma_start3A_373 : memref<200x32xf32, #tpu.memory_space<vmem>>) offsets(%dma_start3A_376 : memref<200xi32, #tpu.memory_space<vmem>>) semaphore(%arg11 : memref<!tpu.dma_semaphore, #tpu.memory_space<semaphore_mem>>)
        %dma_start3A_380 = arith.constant 3 : i32
        %dma_start3A_381 = arith.constant 600 : i32
        %dma_start3A_382 = arith.constant 0 : i32
        %dma_start3A_383 = tpu.memref_slice %arg8[%dma_start3A_381, %dma_start3A_382] : memref<1600x32xf32, #tpu.memory_space<vmem>> -> memref<200x32xf32, #tpu.memory_space<vmem>>
        %dma_start3A_384 = arith.constant 0 : i32
        %dma_start3A_385 = tpu.memref_slice %arg6[%dma_start3A_380, %dma_start3A_384] : memref<8x200xi32, #tpu.memory_space<vmem>> -> memref<1x200xi32, #tpu.memory_space<vmem>>
        %dma_start3A_386 = tpu.memref_squeeze %dma_start3A_385 : memref<1x200xi32, #tpu.memory_space<vmem>> -> memref<200xi32, #tpu.memory_space<vmem>>
        %dma_start3A_387 = arith.constant 0 : i32
        %dma_start3A_388 = arith.constant 0 : i32
        %dma_start3A_389 = tpu.memref_slice %arg2[%dma_start3A_387, %dma_start3A_388] : memref<100000x32xf32, #tpu.memory_space<hbm>> -> memref<100000x32xf32, #tpu.memory_space<hbm>>
        tpu.enqueue_indirect_dma source(%dma_start3A_389 : memref<100000x32xf32, #tpu.memory_space<hbm>>) target(%dma_start3A_383 : memref<200x32xf32, #tpu.memory_space<vmem>>) offsets(%dma_start3A_386 : memref<200xi32, #tpu.memory_space<vmem>>) semaphore(%arg11 : memref<!tpu.dma_semaphore, #tpu.memory_space<semaphore_mem>>)
        %dma_start3A_390 = arith.constant 4 : i32
        %dma_start3A_391 = arith.constant 800 : i32
        %dma_start3A_392 = arith.constant 0 : i32
        %dma_start3A_393 = tpu.memref_slice %arg8[%dma_start3A_391, %dma_start3A_392] : memref<1600x32xf32, #tpu.memory_space<vmem>> -> memref<200x32xf32, #tpu.memory_space<vmem>>
        %dma_start3A_394 = arith.constant 0 : i32
        %dma_start3A_395 = tpu.memref_slice %arg6[%dma_start3A_390, %dma_start3A_394] : memref<8x200xi32, #tpu.memory_space<vmem>> -> memref<1x200xi32, #tpu.memory_space<vmem>>
        %dma_start3A_396 = tpu.memref_squeeze %dma_start3A_395 : memref<1x200xi32, #tpu.memory_space<vmem>> -> memref<200xi32, #tpu.memory_space<vmem>>
        %dma_start3A_397 = arith.constant 0 : i32
        %dma_start3A_398 = arith.constant 0 : i32
        %dma_start3A_399 = tpu.memref_slice %arg2[%dma_start3A_397, %dma_start3A_398] : memref<100000x32xf32, #tpu.memory_space<hbm>> -> memref<100000x32xf32, #tpu.memory_space<hbm>>
        tpu.enqueue_indirect_dma source(%dma_start3A_399 : memref<100000x32xf32, #tpu.memory_space<hbm>>) target(%dma_start3A_393 : memref<200x32xf32, #tpu.memory_space<vmem>>) offsets(%dma_start3A_396 : memref<200xi32, #tpu.memory_space<vmem>>) semaphore(%arg11 : memref<!tpu.dma_semaphore, #tpu.memory_space<semaphore_mem>>)
        %dma_start3A_400 = arith.constant 5 : i32
        %dma_start3A_401 = arith.constant 1000 : i32
        %dma_start3A_402 = arith.constant 0 : i32
        %dma_start3A_403 = tpu.memref_slice %arg8[%dma_start3A_401, %dma_start3A_402] : memref<1600x32xf32, #tpu.memory_space<vmem>> -> memref<200x32xf32, #tpu.memory_space<vmem>>
        %dma_start3A_404 = arith.constant 0 : i32
        %dma_start3A_405 = tpu.memref_slice %arg6[%dma_start3A_400, %dma_start3A_404] : memref<8x200xi32, #tpu.memory_space<vmem>> -> memref<1x200xi32, #tpu.memory_space<vmem>>
        %dma_start3A_406 = tpu.memref_squeeze %dma_start3A_405 : memref<1x200xi32, #tpu.memory_space<vmem>> -> memref<200xi32, #tpu.memory_space<vmem>>
        %dma_start3A_407 = arith.constant 0 : i32
        %dma_start3A_408 = arith.constant 0 : i32
        %dma_start3A_409 = tpu.memref_slice %arg2[%dma_start3A_407, %dma_start3A_408] : memref<100000x32xf32, #tpu.memory_space<hbm>> -> memref<100000x32xf32, #tpu.memory_space<hbm>>
        tpu.enqueue_indirect_dma source(%dma_start3A_409 : memref<100000x32xf32, #tpu.memory_space<hbm>>) target(%dma_start3A_403 : memref<200x32xf32, #tpu.memory_space<vmem>>) offsets(%dma_start3A_406 : memref<200xi32, #tpu.memory_space<vmem>>) semaphore(%arg11 : memref<!tpu.dma_semaphore, #tpu.memory_space<semaphore_mem>>)
        %dma_start3A_410 = arith.constant 6 : i32
        %dma_start3A_411 = arith.constant 1200 : i32
        %dma_start3A_412 = arith.constant 0 : i32
        %dma_start3A_413 = tpu.memref_slice %arg8[%dma_start3A_411, %dma_start3A_412] : memref<1600x32xf32, #tpu.memory_space<vmem>> -> memref<200x32xf32, #tpu.memory_space<vmem>>
        %dma_start3A_414 = arith.constant 0 : i32
        %dma_start3A_415 = tpu.memref_slice %arg6[%dma_start3A_410, %dma_start3A_414] : memref<8x200xi32, #tpu.memory_space<vmem>> -> memref<1x200xi32, #tpu.memory_space<vmem>>
        %dma_start3A_416 = tpu.memref_squeeze %dma_start3A_415 : memref<1x200xi32, #tpu.memory_space<vmem>> -> memref<200xi32, #tpu.memory_space<vmem>>
        %dma_start3A_417 = arith.constant 0 : i32
        %dma_start3A_418 = arith.constant 0 : i32
        %dma_start3A_419 = tpu.memref_slice %arg2[%dma_start3A_417, %dma_start3A_418] : memref<100000x32xf32, #tpu.memory_space<hbm>> -> memref<100000x32xf32, #tpu.memory_space<hbm>>
        tpu.enqueue_indirect_dma source(%dma_start3A_419 : memref<100000x32xf32, #tpu.memory_space<hbm>>) target(%dma_start3A_413 : memref<200x32xf32, #tpu.memory_space<vmem>>) offsets(%dma_start3A_416 : memref<200xi32, #tpu.memory_space<vmem>>) semaphore(%arg11 : memref<!tpu.dma_semaphore, #tpu.memory_space<semaphore_mem>>)
        %dma_start3A_420 = arith.constant 7 : i32
        %dma_start3A_421 = arith.constant 1400 : i32
        %dma_start3A_422 = arith.constant 0 : i32
        %dma_start3A_423 = tpu.memref_slice %arg8[%dma_start3A_421, %dma_start3A_422] : memref<1600x32xf32, #tpu.memory_space<vmem>> -> memref<200x32xf32, #tpu.memory_space<vmem>>
        %dma_start3A_424 = arith.constant 0 : i32
        %dma_start3A_425 = tpu.memref_slice %arg6[%dma_start3A_420, %dma_start3A_424] : memref<8x200xi32, #tpu.memory_space<vmem>> -> memref<1x200xi32, #tpu.memory_space<vmem>>
        %dma_start3A_426 = tpu.memref_squeeze %dma_start3A_425 : memref<1x200xi32, #tpu.memory_space<vmem>> -> memref<200xi32, #tpu.memory_space<vmem>>
        %dma_start3A_427 = arith.constant 0 : i32
        %dma_start3A_428 = arith.constant 0 : i32
        %dma_start3A_429 = tpu.memref_slice %arg2[%dma_start3A_427, %dma_start3A_428] : memref<100000x32xf32, #tpu.memory_space<hbm>> -> memref<100000x32xf32, #tpu.memory_space<hbm>>
        tpu.enqueue_indirect_dma source(%dma_start3A_429 : memref<100000x32xf32, #tpu.memory_space<hbm>>) target(%dma_start3A_423 : memref<200x32xf32, #tpu.memory_space<vmem>>) offsets(%dma_start3A_426 : memref<200xi32, #tpu.memory_space<vmem>>) semaphore(%arg11 : memref<!tpu.dma_semaphore, #tpu.memory_space<semaphore_mem>>)
      } else {
      }
      %dma_wait3A_227 = arith.constant 0 : i32
      %dma_wait3A_228 = arith.constant 0 : i32
      %dma_wait3A_229 = arith.constant 0 : i32
      %dma_wait3A_230 = tpu.memref_slice %arg9[%dma_wait3A_228, %dma_wait3A_229] : memref<1600x32xf32, #tpu.memory_space<vmem>> -> memref<200x32xf32, #tpu.memory_space<vmem>>
      %dma_wait3A_231 = arith.constant 0 : i32
      %dma_wait3A_232 = tpu.memref_slice %arg7[%dma_wait3A_227, %dma_wait3A_231] : memref<8x200xi32, #tpu.memory_space<vmem>> -> memref<1x200xi32, #tpu.memory_space<vmem>>
      %dma_wait3A_233 = tpu.memref_squeeze %dma_wait3A_232 : memref<1x200xi32, #tpu.memory_space<vmem>> -> memref<200xi32, #tpu.memory_space<vmem>>
      %dma_wait3A_234 = arith.constant 0 : i32
      %dma_wait3A_235 = arith.constant 0 : i32
      %dma_wait3A_236 = tpu.memref_slice %arg2[%dma_wait3A_234, %dma_wait3A_235] : memref<100000x32xf32, #tpu.memory_space<hbm>> -> memref<100000x32xf32, #tpu.memory_space<hbm>>
      tpu.wait_indirect_dma semaphore(%arg12 : memref<!tpu.dma_semaphore, #tpu.memory_space<semaphore_mem>>) src(%dma_wait3A_236 : memref<100000x32xf32, #tpu.memory_space<hbm>>) dst(%dma_wait3A_230 : memref<200x32xf32, #tpu.memory_space<vmem>>)
      %dma_wait3A_237 = arith.constant 1 : i32
      %dma_wait3A_238 = arith.constant 200 : i32
      %dma_wait3A_239 = arith.constant 0 : i32
      %dma_wait3A_240 = tpu.memref_slice %arg9[%dma_wait3A_238, %dma_wait3A_239] : memref<1600x32xf32, #tpu.memory_space<vmem>> -> memref<200x32xf32, #tpu.memory_space<vmem>>
      %dma_wait3A_241 = arith.constant 0 : i32
      %dma_wait3A_242 = tpu.memref_slice %arg7[%dma_wait3A_237, %dma_wait3A_241] : memref<8x200xi32, #tpu.memory_space<vmem>> -> memref<1x200xi32, #tpu.memory_space<vmem>>
      %dma_wait3A_243 = tpu.memref_squeeze %dma_wait3A_242 : memref<1x200xi32, #tpu.memory_space<vmem>> -> memref<200xi32, #tpu.memory_space<vmem>>
      %dma_wait3A_244 = arith.constant 0 : i32
      %dma_wait3A_245 = arith.constant 0 : i32
      %dma_wait3A_246 = tpu.memref_slice %arg2[%dma_wait3A_244, %dma_wait3A_245] : memref<100000x32xf32, #tpu.memory_space<hbm>> -> memref<100000x32xf32, #tpu.memory_space<hbm>>
      tpu.wait_indirect_dma semaphore(%arg12 : memref<!tpu.dma_semaphore, #tpu.memory_space<semaphore_mem>>) src(%dma_wait3A_246 : memref<100000x32xf32, #tpu.memory_space<hbm>>) dst(%dma_wait3A_240 : memref<200x32xf32, #tpu.memory_space<vmem>>)
      %dma_wait3A_247 = arith.constant 2 : i32
      %dma_wait3A_248 = arith.constant 400 : i32
      %dma_wait3A_249 = arith.constant 0 : i32
      %dma_wait3A_250 = tpu.memref_slice %arg9[%dma_wait3A_248, %dma_wait3A_249] : memref<1600x32xf32, #tpu.memory_space<vmem>> -> memref<200x32xf32, #tpu.memory_space<vmem>>
      %dma_wait3A_251 = arith.constant 0 : i32
      %dma_wait3A_252 = tpu.memref_slice %arg7[%dma_wait3A_247, %dma_wait3A_251] : memref<8x200xi32, #tpu.memory_space<vmem>> -> memref<1x200xi32, #tpu.memory_space<vmem>>
      %dma_wait3A_253 = tpu.memref_squeeze %dma_wait3A_252 : memref<1x200xi32, #tpu.memory_space<vmem>> -> memref<200xi32, #tpu.memory_space<vmem>>
      %dma_wait3A_254 = arith.constant 0 : i32
      %dma_wait3A_255 = arith.constant 0 : i32
      %dma_wait3A_256 = tpu.memref_slice %arg2[%dma_wait3A_254, %dma_wait3A_255] : memref<100000x32xf32, #tpu.memory_space<hbm>> -> memref<100000x32xf32, #tpu.memory_space<hbm>>
      tpu.wait_indirect_dma semaphore(%arg12 : memref<!tpu.dma_semaphore, #tpu.memory_space<semaphore_mem>>) src(%dma_wait3A_256 : memref<100000x32xf32, #tpu.memory_space<hbm>>) dst(%dma_wait3A_250 : memref<200x32xf32, #tpu.memory_space<vmem>>)
      %dma_wait3A_257 = arith.constant 3 : i32
      %dma_wait3A_258 = arith.constant 600 : i32
      %dma_wait3A_259 = arith.constant 0 : i32
      %dma_wait3A_260 = tpu.memref_slice %arg9[%dma_wait3A_258, %dma_wait3A_259] : memref<1600x32xf32, #tpu.memory_space<vmem>> -> memref<200x32xf32, #tpu.memory_space<vmem>>
      %dma_wait3A_261 = arith.constant 0 : i32
      %dma_wait3A_262 = tpu.memref_slice %arg7[%dma_wait3A_257, %dma_wait3A_261] : memref<8x200xi32, #tpu.memory_space<vmem>> -> memref<1x200xi32, #tpu.memory_space<vmem>>
      %dma_wait3A_263 = tpu.memref_squeeze %dma_wait3A_262 : memref<1x200xi32, #tpu.memory_space<vmem>> -> memref<200xi32, #tpu.memory_space<vmem>>
      %dma_wait3A_264 = arith.constant 0 : i32
      %dma_wait3A_265 = arith.constant 0 : i32
      %dma_wait3A_266 = tpu.memref_slice %arg2[%dma_wait3A_264, %dma_wait3A_265] : memref<100000x32xf32, #tpu.memory_space<hbm>> -> memref<100000x32xf32, #tpu.memory_space<hbm>>
      tpu.wait_indirect_dma semaphore(%arg12 : memref<!tpu.dma_semaphore, #tpu.memory_space<semaphore_mem>>) src(%dma_wait3A_266 : memref<100000x32xf32, #tpu.memory_space<hbm>>) dst(%dma_wait3A_260 : memref<200x32xf32, #tpu.memory_space<vmem>>)
      %dma_wait3A_267 = arith.constant 4 : i32
      %dma_wait3A_268 = arith.constant 800 : i32
      %dma_wait3A_269 = arith.constant 0 : i32
      %dma_wait3A_270 = tpu.memref_slice %arg9[%dma_wait3A_268, %dma_wait3A_269] : memref<1600x32xf32, #tpu.memory_space<vmem>> -> memref<200x32xf32, #tpu.memory_space<vmem>>
      %dma_wait3A_271 = arith.constant 0 : i32
      %dma_wait3A_272 = tpu.memref_slice %arg7[%dma_wait3A_267, %dma_wait3A_271] : memref<8x200xi32, #tpu.memory_space<vmem>> -> memref<1x200xi32, #tpu.memory_space<vmem>>
      %dma_wait3A_273 = tpu.memref_squeeze %dma_wait3A_272 : memref<1x200xi32, #tpu.memory_space<vmem>> -> memref<200xi32, #tpu.memory_space<vmem>>
      %dma_wait3A_274 = arith.constant 0 : i32
      %dma_wait3A_275 = arith.constant 0 : i32
      %dma_wait3A_276 = tpu.memref_slice %arg2[%dma_wait3A_274, %dma_wait3A_275] : memref<100000x32xf32, #tpu.memory_space<hbm>> -> memref<100000x32xf32, #tpu.memory_space<hbm>>
      tpu.wait_indirect_dma semaphore(%arg12 : memref<!tpu.dma_semaphore, #tpu.memory_space<semaphore_mem>>) src(%dma_wait3A_276 : memref<100000x32xf32, #tpu.memory_space<hbm>>) dst(%dma_wait3A_270 : memref<200x32xf32, #tpu.memory_space<vmem>>)
      %dma_wait3A_277 = arith.constant 5 : i32
      %dma_wait3A_278 = arith.constant 1000 : i32
      %dma_wait3A_279 = arith.constant 0 : i32
      %dma_wait3A_280 = tpu.memref_slice %arg9[%dma_wait3A_278, %dma_wait3A_279] : memref<1600x32xf32, #tpu.memory_space<vmem>> -> memref<200x32xf32, #tpu.memory_space<vmem>>
      %dma_wait3A_281 = arith.constant 0 : i32
      %dma_wait3A_282 = tpu.memref_slice %arg7[%dma_wait3A_277, %dma_wait3A_281] : memref<8x200xi32, #tpu.memory_space<vmem>> -> memref<1x200xi32, #tpu.memory_space<vmem>>
      %dma_wait3A_283 = tpu.memref_squeeze %dma_wait3A_282 : memref<1x200xi32, #tpu.memory_space<vmem>> -> memref<200xi32, #tpu.memory_space<vmem>>
      %dma_wait3A_284 = arith.constant 0 : i32
      %dma_wait3A_285 = arith.constant 0 : i32
      %dma_wait3A_286 = tpu.memref_slice %arg2[%dma_wait3A_284, %dma_wait3A_285] : memref<100000x32xf32, #tpu.memory_space<hbm>> -> memref<100000x32xf32, #tpu.memory_space<hbm>>
      tpu.wait_indirect_dma semaphore(%arg12 : memref<!tpu.dma_semaphore, #tpu.memory_space<semaphore_mem>>) src(%dma_wait3A_286 : memref<100000x32xf32, #tpu.memory_space<hbm>>) dst(%dma_wait3A_280 : memref<200x32xf32, #tpu.memory_space<vmem>>)
      %dma_wait3A_287 = arith.constant 6 : i32
      %dma_wait3A_288 = arith.constant 1200 : i32
      %dma_wait3A_289 = arith.constant 0 : i32
      %dma_wait3A_290 = tpu.memref_slice %arg9[%dma_wait3A_288, %dma_wait3A_289] : memref<1600x32xf32, #tpu.memory_space<vmem>> -> memref<200x32xf32, #tpu.memory_space<vmem>>
      %dma_wait3A_291 = arith.constant 0 : i32
      %dma_wait3A_292 = tpu.memref_slice %arg7[%dma_wait3A_287, %dma_wait3A_291] : memref<8x200xi32, #tpu.memory_space<vmem>> -> memref<1x200xi32, #tpu.memory_space<vmem>>
      %dma_wait3A_293 = tpu.memref_squeeze %dma_wait3A_292 : memref<1x200xi32, #tpu.memory_space<vmem>> -> memref<200xi32, #tpu.memory_space<vmem>>
      %dma_wait3A_294 = arith.constant 0 : i32
      %dma_wait3A_295 = arith.constant 0 : i32
      %dma_wait3A_296 = tpu.memref_slice %arg2[%dma_wait3A_294, %dma_wait3A_295] : memref<100000x32xf32, #tpu.memory_space<hbm>> -> memref<100000x32xf32, #tpu.memory_space<hbm>>
      tpu.wait_indirect_dma semaphore(%arg12 : memref<!tpu.dma_semaphore, #tpu.memory_space<semaphore_mem>>) src(%dma_wait3A_296 : memref<100000x32xf32, #tpu.memory_space<hbm>>) dst(%dma_wait3A_290 : memref<200x32xf32, #tpu.memory_space<vmem>>)
      %dma_wait3A_297 = arith.constant 7 : i32
      %dma_wait3A_298 = arith.constant 1400 : i32
      %dma_wait3A_299 = arith.constant 0 : i32
      %dma_wait3A_300 = tpu.memref_slice %arg9[%dma_wait3A_298, %dma_wait3A_299] : memref<1600x32xf32, #tpu.memory_space<vmem>> -> memref<200x32xf32, #tpu.memory_space<vmem>>
      %dma_wait3A_301 = arith.constant 0 : i32
      %dma_wait3A_302 = tpu.memref_slice %arg7[%dma_wait3A_297, %dma_wait3A_301] : memref<8x200xi32, #tpu.memory_space<vmem>> -> memref<1x200xi32, #tpu.memory_space<vmem>>
      %dma_wait3A_303 = tpu.memref_squeeze %dma_wait3A_302 : memref<1x200xi32, #tpu.memory_space<vmem>> -> memref<200xi32, #tpu.memory_space<vmem>>
      %dma_wait3A_304 = arith.constant 0 : i32
      %dma_wait3A_305 = arith.constant 0 : i32
      %dma_wait3A_306 = tpu.memref_slice %arg2[%dma_wait3A_304, %dma_wait3A_305] : memref<100000x32xf32, #tpu.memory_space<hbm>> -> memref<100000x32xf32, #tpu.memory_space<hbm>>
      tpu.wait_indirect_dma semaphore(%arg12 : memref<!tpu.dma_semaphore, #tpu.memory_space<semaphore_mem>>) src(%dma_wait3A_306 : memref<100000x32xf32, #tpu.memory_space<hbm>>) dst(%dma_wait3A_300 : memref<200x32xf32, #tpu.memory_space<vmem>>)
      %scan3A_307 = arith.constant 0 : i32
      %scan3A_308 = arith.constant 200 : i32
      %scan3A_309 = arith.addi %scan3A_307, %scan3A_308 : i32
      %scan3A_310 = arith.constant 1 : i32
      scf.for %scan3A_319 = %scan3A_307 to %scan3A_309 step %scan3A_310  : i32 {
        %mul3A_320 = arith.constant 1 : i32
        %mul3A_321 = arith.muli %scan3A_319, %mul3A_320 : i32
        %add3A_322 = arith.constant 0 : i32
        %add3A_323 = arith.addi %add3A_322, %mul3A_321 : i32
        %get3A = arith.index_cast %add3A_323 : i32 to index
        %get3A_324 = arith.constant 0 : index
        %get3A_325 = tpu.vector_load %arg10[%get3A, %get3A_324] {strides = array<i32>} : memref<200x32xf32, #tpu.memory_space<vmem>>, vector<1x16xf32>,
        %get3A_326 = vector.shape_cast %get3A_325 : vector<1x16xf32> to vector<16xf32>
        %add3A_327 = arith.constant 0 : i32
        %add3A_328 = arith.addi %add3A_327, %add3A_323 : i32
        %swap3A = arith.index_cast %add3A_328 : i32 to index
        %swap3A_329 = arith.constant 0 : index
        %swap3A_330 = tpu.vector_load %arg9[%swap3A, %swap3A_329] {strides = array<i32>} : memref<1600x32xf32, #tpu.memory_space<vmem>>, vector<1x16xf32>,
        %swap3A_331 = vector.shape_cast %swap3A_330 : vector<1x16xf32> to vector<16xf32>
        %swap3A_332 = vector.shape_cast %get3A_326 : vector<16xf32> to vector<1x16xf32>
        tpu.vector_store %arg9[%swap3A, %swap3A_329], %swap3A_332 {add = true, strides = array<i32>} : memref<1600x32xf32, #tpu.memory_space<vmem>>, vector<1x16xf32>,
        %add3A_333 = arith.constant 200 : i32
        %add3A_334 = arith.addi %add3A_333, %add3A_323 : i32
        %swap3A_335 = arith.index_cast %add3A_334 : i32 to index
        %swap3A_336 = arith.constant 0 : index
        %swap3A_337 = tpu.vector_load %arg9[%swap3A_335, %swap3A_336] {strides = array<i32>} : memref<1600x32xf32, #tpu.memory_space<vmem>>, vector<1x16xf32>,
        %swap3A_338 = vector.shape_cast %swap3A_337 : vector<1x16xf32> to vector<16xf32>
        %swap3A_339 = vector.shape_cast %get3A_326 : vector<16xf32> to vector<1x16xf32>
        tpu.vector_store %arg9[%swap3A_335, %swap3A_336], %swap3A_339 {add = true, strides = array<i32>} : memref<1600x32xf32, #tpu.memory_space<vmem>>, vector<1x16xf32>,
        %add3A_340 = arith.constant 400 : i32
        %add3A_341 = arith.addi %add3A_340, %add3A_323 : i32
        %swap3A_342 = arith.index_cast %add3A_341 : i32 to index
        %swap3A_343 = arith.constant 0 : index
        %swap3A_344 = tpu.vector_load %arg9[%swap3A_342, %swap3A_343] {strides = array<i32>} : memref<1600x32xf32, #tpu.memory_space<vmem>>, vector<1x16xf32>,
        %swap3A_345 = vector.shape_cast %swap3A_344 : vector<1x16xf32> to vector<16xf32>
        %swap3A_346 = vector.shape_cast %get3A_326 : vector<16xf32> to vector<1x16xf32>
        tpu.vector_store %arg9[%swap3A_342, %swap3A_343], %swap3A_346 {add = true, strides = array<i32>} : memref<1600x32xf32, #tpu.memory_space<vmem>>, vector<1x16xf32>,
        %add3A_347 = arith.constant 600 : i32
        %add3A_348 = arith.addi %add3A_347, %add3A_323 : i32
        %swap3A_349 = arith.index_cast %add3A_348 : i32 to index
        %swap3A_350 = arith.constant 0 : index
        %swap3A_351 = tpu.vector_load %arg9[%swap3A_349, %swap3A_350] {strides = array<i32>} : memref<1600x32xf32, #tpu.memory_space<vmem>>, vector<1x16xf32>,
        %swap3A_352 = vector.shape_cast %swap3A_351 : vector<1x16xf32> to vector<16xf32>
        %swap3A_353 = vector.shape_cast %get3A_326 : vector<16xf32> to vector<1x16xf32>
        tpu.vector_store %arg9[%swap3A_349, %swap3A_350], %swap3A_353 {add = true, strides = array<i32>} : memref<1600x32xf32, #tpu.memory_space<vmem>>, vector<1x16xf32>,
        %add3A_354 = arith.constant 800 : i32
        %add3A_355 = arith.addi %add3A_354, %add3A_323 : i32
        %swap3A_356 = arith.index_cast %add3A_355 : i32 to index
        %swap3A_357 = arith.constant 0 : index
        %swap3A_358 = tpu.vector_load %arg9[%swap3A_356, %swap3A_357] {strides = array<i32>} : memref<1600x32xf32, #tpu.memory_space<vmem>>, vector<1x16xf32>,
        %swap3A_359 = vector.shape_cast %swap3A_358 : vector<1x16xf32> to vector<16xf32>
        %swap3A_360 = vector.shape_cast %get3A_326 : vector<16xf32> to vector<1x16xf32>
        tpu.vector_store %arg9[%swap3A_356, %swap3A_357], %swap3A_360 {add = true, strides = array<i32>} : memref<1600x32xf32, #tpu.memory_space<vmem>>, vector<1x16xf32>,
        %add3A_361 = arith.constant 1000 : i32
        %add3A_362 = arith.addi %add3A_361, %add3A_323 : i32
        %swap3A_363 = arith.index_cast %add3A_362 : i32 to index
        %swap3A_364 = arith.constant 0 : index
        %swap3A_365 = tpu.vector_load %arg9[%swap3A_363, %swap3A_364] {strides = array<i32>} : memref<1600x32xf32, #tpu.memory_space<vmem>>, vector<1x16xf32>,
        %swap3A_366 = vector.shape_cast %swap3A_365 : vector<1x16xf32> to vector<16xf32>
        %swap3A_367 = vector.shape_cast %get3A_326 : vector<16xf32> to vector<1x16xf32>
        tpu.vector_store %arg9[%swap3A_363, %swap3A_364], %swap3A_367 {add = true, strides = array<i32>} : memref<1600x32xf32, #tpu.memory_space<vmem>>, vector<1x16xf32>,
        %add3A_368 = arith.constant 1200 : i32
        %add3A_369 = arith.addi %add3A_368, %add3A_323 : i32
        %swap3A_370 = arith.index_cast %add3A_369 : i32 to index
        %swap3A_371 = arith.constant 0 : index
        %swap3A_372 = tpu.vector_load %arg9[%swap3A_370, %swap3A_371] {strides = array<i32>} : memref<1600x32xf32, #tpu.memory_space<vmem>>, vector<1x16xf32>,
        %swap3A_373 = vector.shape_cast %swap3A_372 : vector<1x16xf32> to vector<16xf32>
        %swap3A_374 = vector.shape_cast %get3A_326 : vector<16xf32> to vector<1x16xf32>
        tpu.vector_store %arg9[%swap3A_370, %swap3A_371], %swap3A_374 {add = true, strides = array<i32>} : memref<1600x32xf32, #tpu.memory_space<vmem>>, vector<1x16xf32>,
        %add3A_375 = arith.constant 1400 : i32
        %add3A_376 = arith.addi %add3A_375, %add3A_323 : i32
        %swap3A_377 = arith.index_cast %add3A_376 : i32 to index
        %swap3A_378 = arith.constant 0 : index
        %swap3A_379 = tpu.vector_load %arg9[%swap3A_377, %swap3A_378] {strides = array<i32>} : memref<1600x32xf32, #tpu.memory_space<vmem>>, vector<1x16xf32>,
        %swap3A_380 = vector.shape_cast %swap3A_379 : vector<1x16xf32> to vector<16xf32>
        %swap3A_381 = vector.shape_cast %get3A_326 : vector<16xf32> to vector<1x16xf32>
        tpu.vector_store %arg9[%swap3A_377, %swap3A_378], %swap3A_381 {add = true, strides = array<i32>} : memref<1600x32xf32, #tpu.memory_space<vmem>>, vector<1x16xf32>,
        %get3A_382 = arith.index_cast %add3A_323 : i32 to index
        %get3A_383 = arith.constant 16 : index
        %get3A_384 = tpu.vector_load %arg10[%get3A_382, %get3A_383] {strides = array<i32>} : memref<200x32xf32, #tpu.memory_space<vmem>>, vector<1x16xf32>,
        %get3A_385 = vector.shape_cast %get3A_384 : vector<1x16xf32> to vector<16xf32>
        %add3A_386 = arith.constant 0 : i32
        %add3A_387 = arith.addi %add3A_386, %add3A_323 : i32
        %swap3A_388 = arith.index_cast %add3A_387 : i32 to index
        %swap3A_389 = arith.constant 16 : index
        %swap3A_390 = tpu.vector_load %arg9[%swap3A_388, %swap3A_389] {strides = array<i32>} : memref<1600x32xf32, #tpu.memory_space<vmem>>, vector<1x16xf32>,
        %swap3A_391 = vector.shape_cast %swap3A_390 : vector<1x16xf32> to vector<16xf32>
        %swap3A_392 = vector.shape_cast %get3A_385 : vector<16xf32> to vector<1x16xf32>
        tpu.vector_store %arg9[%swap3A_388, %swap3A_389], %swap3A_392 {add = true, strides = array<i32>} : memref<1600x32xf32, #tpu.memory_space<vmem>>, vector<1x16xf32>,
        %add3A_393 = arith.constant 200 : i32
        %add3A_394 = arith.addi %add3A_393, %add3A_323 : i32
        %swap3A_395 = arith.index_cast %add3A_394 : i32 to index
        %swap3A_396 = arith.constant 16 : index
        %swap3A_397 = tpu.vector_load %arg9[%swap3A_395, %swap3A_396] {strides = array<i32>} : memref<1600x32xf32, #tpu.memory_space<vmem>>, vector<1x16xf32>,
        %swap3A_398 = vector.shape_cast %swap3A_397 : vector<1x16xf32> to vector<16xf32>
        %swap3A_399 = vector.shape_cast %get3A_385 : vector<16xf32> to vector<1x16xf32>
        tpu.vector_store %arg9[%swap3A_395, %swap3A_396], %swap3A_399 {add = true, strides = array<i32>} : memref<1600x32xf32, #tpu.memory_space<vmem>>, vector<1x16xf32>,
        %add3A_400 = arith.constant 400 : i32
        %add3A_401 = arith.addi %add3A_400, %add3A_323 : i32
        %swap3A_402 = arith.index_cast %add3A_401 : i32 to index
        %swap3A_403 = arith.constant 16 : index
        %swap3A_404 = tpu.vector_load %arg9[%swap3A_402, %swap3A_403] {strides = array<i32>} : memref<1600x32xf32, #tpu.memory_space<vmem>>, vector<1x16xf32>,
        %swap3A_405 = vector.shape_cast %swap3A_404 : vector<1x16xf32> to vector<16xf32>
        %swap3A_406 = vector.shape_cast %get3A_385 : vector<16xf32> to vector<1x16xf32>
        tpu.vector_store %arg9[%swap3A_402, %swap3A_403], %swap3A_406 {add = true, strides = array<i32>} : memref<1600x32xf32, #tpu.memory_space<vmem>>, vector<1x16xf32>,
        %add3A_407 = arith.constant 600 : i32
        %add3A_408 = arith.addi %add3A_407, %add3A_323 : i32
        %swap3A_409 = arith.index_cast %add3A_408 : i32 to index
        %swap3A_410 = arith.constant 16 : index
        %swap3A_411 = tpu.vector_load %arg9[%swap3A_409, %swap3A_410] {strides = array<i32>} : memref<1600x32xf32, #tpu.memory_space<vmem>>, vector<1x16xf32>,
        %swap3A_412 = vector.shape_cast %swap3A_411 : vector<1x16xf32> to vector<16xf32>
        %swap3A_413 = vector.shape_cast %get3A_385 : vector<16xf32> to vector<1x16xf32>
        tpu.vector_store %arg9[%swap3A_409, %swap3A_410], %swap3A_413 {add = true, strides = array<i32>} : memref<1600x32xf32, #tpu.memory_space<vmem>>, vector<1x16xf32>,
        %add3A_414 = arith.constant 800 : i32
        %add3A_415 = arith.addi %add3A_414, %add3A_323 : i32
        %swap3A_416 = arith.index_cast %add3A_415 : i32 to index
        %swap3A_417 = arith.constant 16 : index
        %swap3A_418 = tpu.vector_load %arg9[%swap3A_416, %swap3A_417] {strides = array<i32>} : memref<1600x32xf32, #tpu.memory_space<vmem>>, vector<1x16xf32>,
        %swap3A_419 = vector.shape_cast %swap3A_418 : vector<1x16xf32> to vector<16xf32>
        %swap3A_420 = vector.shape_cast %get3A_385 : vector<16xf32> to vector<1x16xf32>
        tpu.vector_store %arg9[%swap3A_416, %swap3A_417], %swap3A_420 {add = true, strides = array<i32>} : memref<1600x32xf32, #tpu.memory_space<vmem>>, vector<1x16xf32>,
        %add3A_421 = arith.constant 1000 : i32
        %add3A_422 = arith.addi %add3A_421, %add3A_323 : i32
        %swap3A_423 = arith.index_cast %add3A_422 : i32 to index
        %swap3A_424 = arith.constant 16 : index
        %swap3A_425 = tpu.vector_load %arg9[%swap3A_423, %swap3A_424] {strides = array<i32>} : memref<1600x32xf32, #tpu.memory_space<vmem>>, vector<1x16xf32>,
        %swap3A_426 = vector.shape_cast %swap3A_425 : vector<1x16xf32> to vector<16xf32>
        %swap3A_427 = vector.shape_cast %get3A_385 : vector<16xf32> to vector<1x16xf32>
        tpu.vector_store %arg9[%swap3A_423, %swap3A_424], %swap3A_427 {add = true, strides = array<i32>} : memref<1600x32xf32, #tpu.memory_space<vmem>>, vector<1x16xf32>,
        %add3A_428 = arith.constant 1200 : i32
        %add3A_429 = arith.addi %add3A_428, %add3A_323 : i32
        %swap3A_430 = arith.index_cast %add3A_429 : i32 to index
        %swap3A_431 = arith.constant 16 : index
        %swap3A_432 = tpu.vector_load %arg9[%swap3A_430, %swap3A_431] {strides = array<i32>} : memref<1600x32xf32, #tpu.memory_space<vmem>>, vector<1x16xf32>,
        %swap3A_433 = vector.shape_cast %swap3A_432 : vector<1x16xf32> to vector<16xf32>
        %swap3A_434 = vector.shape_cast %get3A_385 : vector<16xf32> to vector<1x16xf32>
        tpu.vector_store %arg9[%swap3A_430, %swap3A_431], %swap3A_434 {add = true, strides = array<i32>} : memref<1600x32xf32, #tpu.memory_space<vmem>>, vector<1x16xf32>,
        %add3A_435 = arith.constant 1400 : i32
        %add3A_436 = arith.addi %add3A_435, %add3A_323 : i32
        %swap3A_437 = arith.index_cast %add3A_436 : i32 to index
        %swap3A_438 = arith.constant 16 : index
        %swap3A_439 = tpu.vector_load %arg9[%swap3A_437, %swap3A_438] {strides = array<i32>} : memref<1600x32xf32, #tpu.memory_space<vmem>>, vector<1x16xf32>,
        %swap3A_440 = vector.shape_cast %swap3A_439 : vector<1x16xf32> to vector<16xf32>
        %swap3A_441 = vector.shape_cast %get3A_385 : vector<16xf32> to vector<1x16xf32>
        tpu.vector_store %arg9[%swap3A_437, %swap3A_438], %swap3A_441 {add = true, strides = array<i32>} : memref<1600x32xf32, #tpu.memory_space<vmem>>, vector<1x16xf32>,
      }
      %scan3A_311 = arith.constant 200 : i32
      %mul3A_312 = arith.constant 1600 : i32
      %mul3A_313 = arith.muli %add3A_219, %mul3A_312 : i32
      %add3A_314 = arith.addi %mul3A_2, %mul3A_313 : i32
      %dma_start3A_315 = arith.constant 0 : i32
      %dma_start3A_316 = tpu.memref_slice %arg5[%add3A_314, %dma_start3A_315] : memref<819200x128xf32, #tpu.memory_space<hbm>> -> memref<1600x32xf32, #tpu.memory_space<hbm>>
      %dma_start3A_317 = arith.constant 0 : i32
      %dma_start3A_318 = tpu.memref_slice %arg5[%add3A_314, %dma_start3A_317] : memref<819200x128xf32, #tpu.memory_space<hbm>> -> memref<1600x32xf32, #tpu.memory_space<hbm>>
      tpu.enqueue_dma source(%arg9 : memref<1600x32xf32, #tpu.memory_space<vmem>>) target(%dma_start3A_318 : memref<1600x32xf32, #tpu.memory_space<hbm>>) target_semaphore(%arg14 : memref<!tpu.dma_semaphore, #tpu.memory_space<semaphore_mem>>)
    }
    %scan3A_103 = arith.constant 8 : i32
    %add3A_104 = arith.constant 22400 : i32
    %add3A_105 = arith.addi %mul3A_2, %add3A_104 : i32
    %dma_wait3A = arith.constant 0 : i32
    %dma_wait3A_106 = tpu.memref_slice %arg5[%add3A_105, %dma_wait3A] : memref<819200x128xf32, #tpu.memory_space<hbm>> -> memref<1600x32xf32, #tpu.memory_space<hbm>>
    %dma_wait3A_107 = arith.constant 0 : i32
    %dma_wait3A_108 = tpu.memref_slice %arg5[%add3A_105, %dma_wait3A_107] : memref<819200x128xf32, #tpu.memory_space<hbm>> -> memref<1600x32xf32, #tpu.memory_space<hbm>>
    tpu.wait_dma2 semaphore(%arg13 : memref<!tpu.dma_semaphore, #tpu.memory_space<semaphore_mem>>) src(%arg8 : memref<1600x32xf32, #tpu.memory_space<vmem>>) dst(%dma_wait3A_108 : memref<1600x32xf32, #tpu.memory_space<hbm>>)
    %add3A_109 = arith.constant 24000 : i32
    %add3A_110 = arith.addi %mul3A_2, %add3A_109 : i32
    %dma_wait3A_111 = arith.constant 0 : i32
    %dma_wait3A_112 = tpu.memref_slice %arg5[%add3A_110, %dma_wait3A_111] : memref<819200x128xf32, #tpu.memory_space<hbm>> -> memref<1600x32xf32, #tpu.memory_space<hbm>>
    %dma_wait3A_113 = arith.constant 0 : i32
    %dma_wait3A_114 = tpu.memref_slice %arg5[%add3A_110, %dma_wait3A_113] : memref<819200x128xf32, #tpu.memory_space<hbm>> -> memref<1600x32xf32, #tpu.memory_space<hbm>>
    tpu.wait_dma2 semaphore(%arg14 : memref<!tpu.dma_semaphore, #tpu.memory_space<semaphore_mem>>) src(%arg9 : memref<1600x32xf32, #tpu.memory_space<vmem>>) dst(%dma_wait3A_114 : memref<1600x32xf32, #tpu.memory_space<hbm>>)
    return
  }
}

</mosaic_0001>

<sc_bundles>
// kernel: kernel.3.cloned.1.call-start
scs
__scs_entry_jumppad:
0x0: {  	(pc) =	sbr.rel $0x88, $3  }
0x1: {  	(tag) =	ssettag $0x0;
	lr =	simm.s32 $0x1  }
0x2: {  	[smem:$0x3F9E] =	sst lr;
	_ =	strace $0xD0000000  }
0x3: {  	_ = 	snop  }
0x4: {  	_ = 	snop  }
0x5: {  	_ = 	snop  }
0x6: {  	_ = 	snop  }
0x7: {  	_ = 	snop  }
__scs_overlays_trampoline_lowered:
0x8: {  	[smem:$0x3FAD] =	sst s0  }
0x9: {  	[smem:$0x3FAE] =	sst s1  }
0xa: {  	[smem:$0x3FAF] =	sst s2  }
0xb: {  	[smem:$0x3FB0] =	sst s3  }
0xc: {  	[smem:$0x3FB1] =	sst s4  }
0xd: {  	[smem:$0x3FB2] =	sst s5  }
0xe: {  	[smem:$0x3FB3] =	sst s6  }
0xf: {  	[smem:$0x3FB4] =	sst s7  }
0x10: {  	[smem:$0x3FB5] =	sst s8  }
0x11: {  	[smem:$0x3FB6] =	sst s9;
	s0 =	simm.s32 @!p0 $0x0  }
0x12: {  	s1 =	sld [smem:$0x3F9C];
	s0 =	simm.s32 @p0 $0x1  }
0x13: {  	[smem:$0x3FB7] =	sst s0;
	s0 =	simm.s32 @!p1 $0x0  }
0x14: {  	s2 =	sld [smem:$0x3F9B];
	s0 =	simm.s32 @p1 $0x1  }
0x15: {  	[smem:$0x3FB8] =	sst s0;
	s0 =	simm.s32 @!p2 $0x0  }
0x16: {  	s3 =	sld [smem:$0x3FDB];
	s0 =	simm.s32 @p2 $0x1  }
0x17: {  	s4 =	simm.s32 $0x1BF5;
	[smem:$0x3FBA] =	sst s0  }
0x18: {  	s0 =	sld [smem:$0x3F9D];
	_ =	swait.ge [sflag:s4], $0x0  }
0x19: {  	s7 =	sld [smem:$0x3F9E]  }
0x1a: {  	s8 =	sadd.s32 $0xFFFFE003, lr  }
0x1b: {  	s9 =	sadd.s32 $0xFFFFFEF7, lr;
	s5 =	simm.s32 $0xFFFFFFFF;
	p2 =	slt.u32 s8, $0xFFFFF086  }
0x1c: {  	p1 =	slt.u32 s9, $0xF7A;
	s5 =	simm.s32 @!p2 $0x0  }
0x1d: {  	s5 =	simm.s32 @p1 $0x1;
	p0 =	seq.s32 s7, s2  }
0x1e: {  	s7 =	smul.u32 @!p0 $0xF7A, s2;
	p2 =	seq.s32 @!p0 s5, $0x0  }
0x1f: {  	s9 =	smul.u32 $0xF7A, s1;
	s8 =	simm.s32 @!p0 $0x1BF5;
	p2 =	por !p2, p0  }
0x20: {  	[sflag:s8] =	ssyncset.s32 @!p0 $0xFFFFF086;
	s6 =	sadd.s32 @!p0 s3, s7;
	s7 =	simm.s32 @!p0 $0x108  }
0x21: {  	s3 =	sadd.s32 s3, s9;
	s6 =	sadd.s32 @!p0 $0x88, s6;
	s7 =	simm.s32 @p2 $0x1082  }
0x22: {  	[simem:s7], [sflag:s8] =	dma.local @!p0 [hbm:s6], $0xF7A  }
0x23: {  	s9 =	sor.u32 $0xD0000000, s2;
	s6 =	simm.s32 $0x108;
	_ =	swait.ge @!p0 [sflag:s8], $0x0  }
0x24: {  	s3 =	sadd.s32 $0x88, s3;
	s6 =	simm.s32 @!p1 $0x1082;
	[sflag:s4] =	ssyncset.s32 $0xFFFFF086  }
0x25: {  	[simem:s6], [sflag:s4] =	dma.local [hbm:s3], $0xF7A  }
0x26: {  	[smem:$0x3F9E] =	sst s1;
	(tag) =	ssettag s2;
	_ =	strace s9  }
0x27: {  	s1 =	sld [smem:$0x3FAE]  }
0x28: {  	s2 =	sld [smem:$0x3FAF]  }
0x29: {  	s4 =	sld [smem:$0x3FB1]  }
0x2a: {  	p0 =	seq.s32 s5, $0x0;
	s5 =	sld [smem:$0x3FB2]  }
0x2b: {  	s6 =	sld [smem:$0x3FB3]  }
0x2c: {  	s7 =	sld [smem:$0x3FB4]  }
0x2d: {  	s3 =	simm.s32 $0x108;
	s8 =	sld [smem:$0x3FB5]  }
0x2e: {  	s3 =	simm.s32 @!p0 $0x1082;
	s9 =	sld [smem:$0x3FB6]  }
0x2f: {  	lr =	sadd.s32 s0, s3;
	s0 =	sld [smem:$0x3FAD]  }
0x30: {  	s3 =	sld [smem:$0x3FB0]  }
0x31: {  	[smem:$0x3FB9] =	sst s10  }
0x32: {  	s10 =	sld [smem:$0x3FB7];
	_ =	sdelay $0x3  }
0x33: {  	p0 =	seq.s32 s10, $0x1;
	s10 =	sld [smem:$0x3FB9];
	_ =	sdelay $0x3  }
0x34: {  	[smem:$0x3FB9] =	sst s10  }
0x35: {  	s10 =	sld [smem:$0x3FB8];
	_ =	sdelay $0x3  }
0x36: {  	p1 =	seq.s32 s10, $0x1;
	s10 =	sld [smem:$0x3FB9];
	_ =	sdelay $0x3  }
0x37: {  	[smem:$0x3FB9] =	sst s10  }
0x38: {  	s10 =	sld [smem:$0x3FBA]  }
0x39: {  	_ = 	snop;
	(pc) =	sbr.ind lr, $3  }
0x3a: {  	_ = 	snop  }
0x3b: {  	_ = 	snop  }
0x3c: {  	p2 =	seq.s32 s10, $0x1;
	s10 =	sld [smem:$0x3FB9]  }
0x3d: {  	_ =	shalt  }
0x3e: {  	_ =	shalt  }
0x3f: {  	_ =	shalt  }
0x40: {  	_ =	shalt  }
0x41: {  	_ =	shalt  }
0x42: {  	_ =	shalt  }
0x43: {  	_ =	shalt  }
0x44: {  	_ =	shalt  }
0x45: {  	_ =	shalt  }
0x46: {  	_ =	shalt  }
0x47: {  	_ =	shalt  }
0x48: {  	_ =	shalt  }
0x49: {  	_ =	shalt  }
0x4a: {  	_ =	shalt  }
0x4b: {  	_ =	shalt  }
0x4c: {  	_ =	shalt  }
0x4d: {  	_ =	shalt  }
0x4e: {  	_ =	shalt  }
0x4f: {  	_ =	shalt  }
0x50: {  	_ =	shalt  }
0x51: {  	_ =	shalt  }
0x52: {  	_ =	shalt  }
0x53: {  	_ =	shalt  }
0x54: {  	_ =	shalt  }
0x55: {  	_ =	shalt  }
0x56: {  	_ =	shalt  }
0x57: {  	_ =	shalt  }
0x58: {  	_ =	shalt  }
0x59: {  	_ =	shalt  }
0x5a: {  	_ =	shalt  }
0x5b: {  	_ =	shalt  }
0x5c: {  	_ =	shalt  }
0x5d: {  	_ =	shalt  }
0x5e: {  	_ =	shalt  }
0x5f: {  	_ =	shalt  }
0x60: {  	_ =	shalt  }
0x61: {  	_ =	shalt  }
0x62: {  	_ =	shalt  }
0x63: {  	_ =	shalt  }
0x64: {  	_ =	shalt  }
0x65: {  	_ =	shalt  }
0x66: {  	_ =	shalt  }
0x67: {  	_ =	shalt  }
0x68: {  	_ =	shalt  }
0x69: {  	_ =	shalt  }
0x6a: {  	_ =	shalt  }
0x6b: {  	_ =	shalt  }
0x6c: {  	_ =	shalt  }
0x6d: {  	_ =	shalt  }
0x6e: {  	_ =	shalt  }
0x6f: {  	_ =	shalt  }
0x70: {  	_ =	shalt  }
0x71: {  	_ =	shalt  }
0x72: {  	_ =	shalt  }
0x73: {  	_ =	shalt  }
0x74: {  	_ =	shalt  }
0x75: {  	_ =	shalt  }
0x76: {  	_ =	shalt  }
0x77: {  	_ =	shalt  }
0x78: {  	_ =	shalt  }
0x79: {  	_ =	shalt  }
0x7a: {  	_ =	shalt  }
0x7b: {  	_ =	shalt  }
0x7c: {  	_ =	shalt  }
0x7d: {  	_ =	shalt  }
0x7e: {  	_ =	shalt  }
0x7f: {  	_ =	shalt  }
0x80: {  	_ =	shalt  }
0x81: {  	_ =	shalt  }
0x82: {  	_ =	shalt  }
0x83: {  	_ =	shalt  }
0x84: {  	_ =	shalt  }
0x85: {  	_ =	shalt  }
0x86: {  	_ =	shalt  }
0x87: {  	_ =	shalt  }
.Lfunc_end0:
.L_simem_size_0:
called_computation.1_lowered:
.L_overlay_start_0:
0x88: {  	s2 =	sld [smem:$0x3FD9]  }
0x89: {  	s3 =	sld [smem:$0x3FFE];
	_ =	sdelay $0x1  }
0x8a: {  	s1 =	srdreg.scid  }
0x8b: {  	s0 =	sand.u32 $0x1, s1  }
0x8c: {  	s16 =	sshll.u32 s0, $0xA;
	s2 =	sadd.s32 s3, s2  }
0x8d: {  	s2 =	sadd.s32 s2, s16  }
0x8e: {  	[smem:$0x3FC5] =	sst s2  }
0x8f: {  	_ = 	snop  }
0x90: {  	(tm) =	ssettm $0x1  }
0x91: {  	s17 =	sld [smem:$0x3FFB];
	_ =	sdelay $0x3  }
0x92: {  	_ =	strace s17  }
0x93: {  	s2 =	sld [smem:$0x3FFC];
	_ =	sdelay $0x3  }
0x94: {  	_ =	strace s2  }
0x95: {  	s2 =	sld [smem:$0x3FFD];
	_ =	sdelay $0x3  }
0x96: {  	_ =	strace s2  }
0x97: {  	_ =	strace $0x8FFFFFFF  }
0x98: {  	s18 =	sld [smem:$0x3FDB];
	_ =	sdelay $0x1  }
0x99: {  	s19 =	simm.s32 $_scs_section_size  }
0x9a: {  	s4 =	simm.s32 $_size__tile_overlayer_lowered;
	s5 =	simm.s32 $_tile_overlayer_lowered  }
0x9b: {  	s22 =	simm.s32 $0x1BFF;
	s21 =	sshll.u32 s5, $0x1;
	s2 =	sadd.s32 s19, s18  }
0x9c: {  	s6 =	simm.s32 $0x0;
	s20 =	sshll.u32 s4, $0x1;
	s4 =	sadd.s32 s21, s2  }
0x9d: {  	[timem:s6], [sflag:s22] =	dma.local [hbm:s4], s20  }
0x9e: {  	_ =	swait.ge [sflag:s22], s20  }
0x9f: {  	s3 =	ssub.s32 $0x0, s20;
	[sflag:s22] =	ssyncset.done $0x0  }
0xa0: {  	[sflag:s22] =	ssyncadd.s32 s3;
	_ =	sdelay $0x1  }
0xa1: {  	s23 =	simm.s32 $0x1B8B  }
0xa2: {  	_ =	swait.ge [sflag:s23], $0x1  }
0xa3: {  	[sflag:s23] =	ssyncset.done $0x0  }
0xa4: {  	s25 =	simm.s32 $0x1B8E;
	s24 =	sld [smem:$0x3FFE];
	[sflag:s23] =	ssyncadd.s32 $0xFFFFFFFF  }
0xa5: {  	s26 =	simm.s32 $execute0_lowered;
	[smem:$0x3FD2] =	sst s25  }
0xa6: {  	s4 =	sshll.u32 s26, $0x1;
	_ =	strace $0x80000046;
	[dreg:$0x1] =	wrdreg $0xFFFFFFFF  }
0xa7: {  	s28 =	simm.s32 $_size_execute0_lowered;
	s2 =	sadd.s32 s2, s4;
	[dreg:$0x0] =	wrdreg $0x0  }
0xa8: {  	s4 =	sshll.u32 s28, $0x1;
	[dreg:$0x2] =	wrdreg s2  }
0xa9: {  	[dreg:$0x3] =	wrdreg s4  }
0xaa: {  	[dreg:$0x4] =	wrdreg $0xC0  }
0xab: {  	_ =	task [dreg:s6], $0x5FFFF  }
0xac: {  	[dreg:$0x1] =	wrdreg $0xFFFFFFFF  }
0xad: {  	[dreg:$0x0] =	wrdreg $0x60  }
0xae: {  	[dreg:$0x2] =	wrdreg s24  }
0xaf: {  	[dreg:$0x3] =	wrdreg $0x9  }
0xb0: {  	_ =	task.clear_ibuf [dreg:s6], $0x4FFFF;
	_ =	strace $0x90000046  }
0xb1: {  	s29 =	simm.s32 $0x9;
	_ =	strace $0x80000048  }
0xb2: {  	_ =	swait.ge [sflag:s29], $0x1  }
0xb3: {  	[sflag:s29] =	ssyncadd.s32 $0xFFFFFFFF  }
0xb4: {  	_ =	strace $0x90000048  }
0xb5: {  	_ =	sfence  }
0xb6: {  	s30 =	sld [smem:$0x0];
	_ =	sdelay $0x2  }
0xb7: {  	s31 =	sshll.u32 s1, $0xD;
	s1 =	sshrl.u32 s1, $0x2  }
0xb8: {  	s3 =	sand.u32 $0x4000, s31;
	s1 =	sadd.s32 s1, s30  }
0xb9: {  	s0 =	sor.u32 s3, s0;
	s1 =	sshll.u32 s1, $0x11  }
0xba: {  	s0 =	sor.u32 s1, s0  }
0xbb: {  	s0 =	sadd.s32 $0x8F2B, s0  }
0xbc: {  	[sflag:s0] =	ssyncadd.remote.s32 $0x1  }
0xbd: {  	_ =	sfence.sel $0xFFFF  }
0xbe: {  	[dreg:$0x0] =	wrdreg $0xFFFFFFFF;
	(pc) =	sbr.abs _section_cstart, $3  }
0xbf: {  	[dreg:$0x1] =	wrdreg $0xFFFFFFFF  }
0xc0: {  	_ =	task.clear_ibuf [dreg:s6], $0x2FFFF;
	_ =	strace $0x9FFFFFFF  }
0xc1: {  	(tm) =	ssettm $0x7FFFFFFF  }
tec
execute0_lowered:
.L_overlay_start_1:
0x0: {  	(tag) =	ssettag $0x1  }
0x1: {  	s0 =	rddreg [dreg:$0x0]  }
0x2: {  	s1 =	srdreg.scid;
	s2 =	stileid.u32  }
0x3: {  	s3 =	simm.s32 $0x0;
	s13 =	simm.s32 $0x5;
	s14 =	simm.s32 $0xC8  }
0x4: {  	s30 =	simm.s32 $0x640;
	s31 =	simm.s32 $0xD480;
	s16 =	simm.s32 $0x10680  }
0x5: {  	s17 =	simm.s32 $0x898;
	s18 =	simm.s32 $0x11F80;
	s19 =	simm.s32 $0x960  }
0x6: {  	s20 =	simm.s32 $0x13880;
	s21 =	simm.s32 $0xA28;
	s22 =	simm.s32 $0x15180  }
0x7: {  	s23 =	simm.s32 $0xAF0;
	s24 =	simm.s32 $0x16A80;
	s28 =	simm.s32 $0x1  }
0x8: {  	s29 =	simm.s32 $0x20;
	s8 =	simm.s32 $0x2;
	s1 =	sand.u32 $0x1, s1  }
0x9: {  	s2 =	sshll.u32 s2, $0x1;
	[smem:$0x7FF] =	sst s3;
	s3 =	sadd.s32 $0x19E00, s0  }
0xa: {  	s5 =	sadd.s32 $0xE00, s0;
	s6 =	sadd.s32 $0xA00, s0;
	s2 =	sor.u32 s1, s2  }
0xb: {  	s7 =	sadd.s32 $0x7BA00, s0;
	s1 =	ssub.s32 $0x2, s1;
	s4 =	smul.u32 $0x6400, s2  }
0xc: {  	_ =	strace $0x80000047;
	s2 =	smul.u32 $0xC80, s2;
	s25 =	sshrl.u32 s1, $0x1  }
0xd: {  	[dreg:$0x2] =	wrdreg s6;
	s6 =	simm.s32 $0x80;
	s0 =	ssub.s32 s1, s25  }
0xe: {  	s25 =	simm.s32 $0xBB8;
	s26 =	sadd.s32 s5, s2;
	s9 =	sadd.s32 $0x640, s4  }
0xf: {  	s10 =	sadd.s32 $0xC80, s4;
	s0 =	smax.u32 s0, $0x1;
	[dreg:$0x3] =	wrdreg s26  }
0x10: {  	s2 =	simm.s32 $0x0;
	[dreg:$0x4] =	wrdreg s0;
	s26 =	simm.s32 $0x18380  }
.LBB2_1:
0x11: {  	[dreg:$0x5] =	wrdreg s2  }
0x12: {  	s0 =	simm.s32 $0x0;
	s1 =	rddreg [dreg:$0x2];
	s11 =	simm.s32 $0x19C80  }
0x13: {  	[tilespmem:s11], [sflag:$0x5] =	stream.linear.gather [hbm4b:s1+s0], $0x1900, $0x38;
	[tilespmem:$0x1B580] =	vst v63  }
0x14: {  	_ =	swait.ge [sflag:s13], $0x1900  }
0x15: {  	[sflag:s13] =	ssyncset.done $0x0  }
0x16: {  	s12 =	rddreg [dreg:$0x3];
	[sflag:s13] =	ssyncadd.s32 $0xFFFFE700  }
0x17: {  	[tilespmem:s0], [sflag:$0x5] =	stream.linear.gather [hbm4b:s12+s0], $0x640, $0x38;
	[tilespmem:$0x1B580] =	vst v63  }
0x18: {  	_ =	swait.ge [sflag:s13], $0x640  }
0x19: {  	[sflag:s13] =	ssyncset.done $0x0  }
0x1a: {  	s15 =	simm.s32 $0xC80;
	[sflag:s13] =	ssyncadd.s32 $0xFFFFF9C0  }
0x1b: {  	[tilespmem:s15], [sflag:$0x1] =	stream.indirect.gather [hbm4b:s3+s14], $0x20, s0, s14, $0xb8;
	[tilespmem:$0x1B580] =	vst v63  }
0x1c: {  	s1 =	simm.s32 $0x2580  }
0x1d: {  	[tilespmem:s1], [sflag:$0x1] =	stream.indirect.gather [hbm4b:s3+s14], $0x20, s14, s14, $0xb8;
	[tilespmem:$0x1B580] =	vst v63  }
0x1e: {  	s2 =	simm.s32 $0x190;
	s11 =	simm.s32 $0x3E80  }
0x1f: {  	[tilespmem:s11], [sflag:$0x1] =	stream.indirect.gather [hbm4b:s3+s14], $0x20, s2, s14, $0xb8;
	[tilespmem:$0x1B580] =	vst v63  }
0x20: {  	s12 =	simm.s32 $0x258;
	s15 =	simm.s32 $0x5780  }
0x21: {  	[tilespmem:s15], [sflag:$0x1] =	stream.indirect.gather [hbm4b:s3+s14], $0x20, s12, s14, $0xb8;
	[tilespmem:$0x1B580] =	vst v63  }
0x22: {  	s2 =	simm.s32 $0x320;
	s11 =	simm.s32 $0x7080  }
0x23: {  	[tilespmem:s11], [sflag:$0x1] =	stream.indirect.gather [hbm4b:s3+s14], $0x20, s2, s14, $0xb8;
	[tilespmem:$0x1B580] =	vst v63  }
0x24: {  	s12 =	simm.s32 $0x3E8;
	s15 =	simm.s32 $0x8980  }
0x25: {  	[tilespmem:s15], [sflag:$0x1] =	stream.indirect.gather [hbm4b:s3+s14], $0x20, s12, s14, $0xb8;
	[tilespmem:$0x1B580] =	vst v63  }
0x26: {  	s2 =	simm.s32 $0x4B0;
	s11 =	simm.s32 $0xA280  }
0x27: {  	[tilespmem:s11], [sflag:$0x1] =	stream.indirect.gather [hbm4b:s3+s14], $0x20, s2, s14, $0xb8;
	[tilespmem:$0x1B580] =	vst v63  }
0x28: {  	s12 =	simm.s32 $0x578;
	s15 =	simm.s32 $0xBB80;
	s2 =	simm.s32 $0x0  }
0x29: {  	[tilespmem:s15], [sflag:$0x1] =	stream.indirect.gather [hbm4b:s3+s14], $0x20, s12, s14, $0xb8;
	[tilespmem:$0x1B580] =	vst v63  }
.LBB2_2:
0x2a: {  	s15 =	smul.u32 $0xC80, s2;
	_ =	sdelay $0x1  }
0x2b: {  	s11 =	sadd.s32 s15, s9  }
0x2c: {  	s0 =	smulhi.u32 $0x51EB851F, s11;
	_ =	sdelay $0x1  }
0x2d: {  	p0 =	seq.s32 s2, $0x0;
	s0 =	sshrl.u32 s0, $0x6  }
0x2e: {  	s1 =	simm.s32 @!p0 $0x4;
	s0 =	smul.u32 $0xC8, s0  }
0x2f: {  	_ =	swait.ge @!p0 [sflag:s1], $0xC800  }
0x30: {  	[sflag:s1] =	ssyncset.done @!p0 $0x0;
	s0 =	sshrl.u32 s0, $0x3  }
0x31: {  	s12 =	simm.s32 $0x0;
	[sflag:s1] =	ssyncadd.s32 @!p0 $0xFFFF3800;
	s0 =	sadd.s32 s5, s0  }
0x32: {  	[tilespmem:s30], [sflag:$0x5] =	stream.linear.gather [hbm4b:s0+s12], $0x640, $0x38;
	[tilespmem:$0x1B580] =	vst v63  }
0x33: {  	_ =	swait.ge [sflag:s13], $0x640  }
0x34: {  	[sflag:s13] =	ssyncset.done $0x0  }
0x35: {  	[sflag:s13] =	ssyncadd.s32 $0xFFFFF9C0  }
0x36: {  	[tilespmem:s31], [sflag:$0x2] =	stream.indirect.gather [hbm4b:s3+s14], $0x20, s30, s14, $0xb8;
	[tilespmem:$0x1B580] =	vst v63  }
0x37: {  	s1 =	simm.s32 $0x708;
	s12 =	simm.s32 $0xED80  }
0x38: {  	[tilespmem:s12], [sflag:$0x2] =	stream.indirect.gather [hbm4b:s3+s14], $0x20, s1, s14, $0xb8;
	[tilespmem:$0x1B580] =	vst v63  }
0x39: {  	s12 =	simm.s32 $0x7D0  }
0x3a: {  	[tilespmem:s16], [sflag:$0x2] =	stream.indirect.gather [hbm4b:s3+s14], $0x20, s12, s14, $0xb8;
	[tilespmem:$0x1B580] =	vst v63  }
0x3b: {  	_ = 	snop  }
0x3c: {  	[tilespmem:s18], [sflag:$0x2] =	stream.indirect.gather [hbm4b:s3+s14], $0x20, s17, s14, $0xb8;
	[tilespmem:$0x1B580] =	vst v63  }
0x3d: {  	_ = 	snop  }
0x3e: {  	[tilespmem:s20], [sflag:$0x2] =	stream.indirect.gather [hbm4b:s3+s14], $0x20, s19, s14, $0xb8;
	[tilespmem:$0x1B580] =	vst v63  }
0x3f: {  	_ = 	snop  }
0x40: {  	[tilespmem:s22], [sflag:$0x2] =	stream.indirect.gather [hbm4b:s3+s14], $0x20, s21, s14, $0xb8;
	[tilespmem:$0x1B580] =	vst v63  }
0x41: {  	_ = 	snop  }
0x42: {  	[tilespmem:s24], [sflag:$0x2] =	stream.indirect.gather [hbm4b:s3+s14], $0x20, s23, s14, $0xb8;
	[tilespmem:$0x1B580] =	vst v63  }
0x43: {  	_ = 	snop  }
0x44: {  	[tilespmem:s26], [sflag:$0x2] =	stream.indirect.gather [hbm4b:s3+s14], $0x20, s25, s14, $0xb8;
	[tilespmem:$0x1B580] =	vst v63  }
0x45: {  	_ =	swait.ge [sflag:s28], $0x1900  }
0x46: {  	[sflag:s28] =	ssyncset.done $0x0  }
0x47: {  	[sflag:s28] =	ssyncadd.s32 $0xFFFFE700  }
0x48: {  	_ =	swait.ge [sflag:s28], $0x1900  }
0x49: {  	[sflag:s28] =	ssyncset.done $0x0  }
0x4a: {  	[sflag:s28] =	ssyncadd.s32 $0xFFFFE700  }
0x4b: {  	_ =	swait.ge [sflag:s28], $0x1900  }
0x4c: {  	[sflag:s28] =	ssyncset.done $0x0  }
0x4d: {  	[sflag:s28] =	ssyncadd.s32 $0xFFFFE700  }
0x4e: {  	_ =	swait.ge [sflag:s28], $0x1900  }
0x4f: {  	[sflag:s28] =	ssyncset.done $0x0  }
0x50: {  	[sflag:s28] =	ssyncadd.s32 $0xFFFFE700  }
0x51: {  	_ =	swait.ge [sflag:s28], $0x1900  }
0x52: {  	[sflag:s28] =	ssyncset.done $0x0  }
0x53: {  	[sflag:s28] =	ssyncadd.s32 $0xFFFFE700  }
0x54: {  	_ =	swait.ge [sflag:s28], $0x1900  }
0x55: {  	[sflag:s28] =	ssyncset.done $0x0  }
0x56: {  	[sflag:s28] =	ssyncadd.s32 $0xFFFFE700  }
0x57: {  	_ =	swait.ge [sflag:s28], $0x1900  }
0x58: {  	[sflag:s28] =	ssyncset.done $0x0  }
0x59: {  	[sflag:s28] =	ssyncadd.s32 $0xFFFFE700  }
0x5a: {  	_ =	swait.ge [sflag:s28], $0x1900  }
0x5b: {  	[sflag:s28] =	ssyncset.done $0x0  }
0x5c: {  	s0 =	simm.s32 $0x0;
	[sflag:s28] =	ssyncadd.s32 $0xFFFFE700  }
0x5d: {  	v0 =	vld [tilespmem:s0+$0x19C90]  }
0x5e: {  	v1 =	vld [tilespmem:s0+$0x19C80];
	_ =	sdelay $0x3  }
0x5f: {  	[tilespmem:s0+$0xBB90] =	vst.add.f32.msk $0xffff, v0  }
0x60: {  	[tilespmem:s0+$0xC80] =	vst.add.f32.msk $0xffff, v1  }
0x61: {  	[tilespmem:s0+$0x2580] =	vst.add.f32.msk $0xffff, v1  }
0x62: {  	[tilespmem:s0+$0x3E80] =	vst.add.f32.msk $0xffff, v1  }
0x63: {  	[tilespmem:s0+$0x5780] =	vst.add.f32.msk $0xffff, v1  }
0x64: {  	[tilespmem:s0+$0x7080] =	vst.add.f32.msk $0xffff, v1  }
0x65: {  	[tilespmem:s0+$0x8980] =	vst.add.f32.msk $0xffff, v1  }
0x66: {  	[tilespmem:s0+$0xA280] =	vst.add.f32.msk $0xffff, v1  }
0x67: {  	[tilespmem:s0+$0xBB80] =	vst.add.f32.msk $0xffff, v1  }
0x68: {  	[tilespmem:s0+$0xC90] =	vst.add.f32.msk $0xffff, v0  }
0x69: {  	[tilespmem:s0+$0x2590] =	vst.add.f32.msk $0xffff, v0  }
0x6a: {  	[tilespmem:s0+$0x3E90] =	vst.add.f32.msk $0xffff, v0  }
0x6b: {  	s1 =	simm.s32 $0x100;
	s12 =	simm.s32 $0x20;
	[tilespmem:s0+$0x5790] =	vst.add.f32.msk $0xffff, v0  }
.LBB2_3:
0x6c: {  	p0 =	sne.s32 s1, $0x6380;
	v1 =	vld [tilespmem:s12+$0x19C90]  }
0x6d: {  	v2 =	vld [tilespmem:s12+$0x19C80]  }
0x6e: {  	[tilespmem:s0+$0x7090] =	vst.add.f32.msk $0xffff, v0  }
0x6f: {  	[tilespmem:s0+$0x8990] =	vst.add.f32.msk $0xffff, v0  }
0x70: {  	[tilespmem:s0+$0xA290] =	vst.add.f32.msk $0xffff, v0;
	s0 =	smov.u32 s12  }
0x71: {  	[tilespmem:s0+$0xBB90] =	vst.add.f32.msk $0xffff, v1;
	v0 =	vmov v1  }
0x72: {  	[tilespmem:s0+$0xC80] =	vst.add.f32.msk $0xffff, v2  }
0x73: {  	[tilespmem:s0+$0x2580] =	vst.add.f32.msk $0xffff, v2  }
0x74: {  	[tilespmem:s0+$0x3E80] =	vst.add.f32.msk $0xffff, v2  }
0x75: {  	[tilespmem:s0+$0x5780] =	vst.add.f32.msk $0xffff, v2  }
0x76: {  	[tilespmem:s0+$0x7080] =	vst.add.f32.msk $0xffff, v2  }
0x77: {  	[tilespmem:s0+$0x8980] =	vst.add.f32.msk $0xffff, v2  }
0x78: {  	[tilespmem:s0+$0xA280] =	vst.add.f32.msk $0xffff, v2  }
.Ltmp0:
0x79: {  	[tilespmem:s0+$0xBB80] =	vst.add.f32.msk $0xffff, v2;
	(pc) =	sbr.rel @p0 .LBB2_3-.Ltmp0, $4  }
0x7a: {  	[tilespmem:s0+$0xC90] =	vst.add.f32.msk $0xffff, v0  }
0x7b: {  	[tilespmem:s0+$0x2590] =	vst.add.f32.msk $0xffff, v0  }
0x7c: {  	[tilespmem:s0+$0x3E90] =	vst.add.f32.msk $0xffff, v0  }
0x7d: {  	s12 =	sshra.s32 s1, $0x2;
	s1 =	sadd.s32 $0x80, s1;
	[tilespmem:s0+$0x5790] =	vst.add.f32.msk $0xffff, v0  }
0x7e: {  	v1 =	vld [tilespmem:s12+$0x19C90]  }
0x7f: {  	v2 =	vld [tilespmem:s12+$0x19C80]  }
0x80: {  	[tilespmem:s0+$0x7090] =	vst.add.f32.msk $0xffff, v0  }
0x81: {  	[tilespmem:s0+$0x8990] =	vst.add.f32.msk $0xffff, v0  }
0x82: {  	[tilespmem:s0+$0xA290] =	vst.add.f32.msk $0xffff, v0  }
0x83: {  	[tilespmem:s12+$0xBB90] =	vst.add.f32.msk $0xffff, v1  }
0x84: {  	[tilespmem:s12+$0xC80] =	vst.add.f32.msk $0xffff, v2  }
0x85: {  	[tilespmem:s12+$0x2580] =	vst.add.f32.msk $0xffff, v2  }
0x86: {  	[tilespmem:s12+$0x3E80] =	vst.add.f32.msk $0xffff, v2  }
0x87: {  	[tilespmem:s12+$0x5780] =	vst.add.f32.msk $0xffff, v2  }
0x88: {  	[tilespmem:s12+$0x7080] =	vst.add.f32.msk $0xffff, v2  }
0x89: {  	[tilespmem:s12+$0x8980] =	vst.add.f32.msk $0xffff, v2  }
0x8a: {  	[tilespmem:s12+$0xA280] =	vst.add.f32.msk $0xffff, v2  }
0x8b: {  	[tilespmem:s12+$0xBB80] =	vst.add.f32.msk $0xffff, v2  }
0x8c: {  	[tilespmem:s12+$0xC90] =	vst.add.f32.msk $0xffff, v1  }
0x8d: {  	[tilespmem:s12+$0x2590] =	vst.add.f32.msk $0xffff, v1  }
0x8e: {  	[tilespmem:s12+$0x3E90] =	vst.add.f32.msk $0xffff, v1  }
0x8f: {  	[tilespmem:s12+$0x5790] =	vst.add.f32.msk $0xffff, v1  }
0x90: {  	s1 =	sadd.s32 s4, s15;
	p0 =	seq.s32 s2, $0x7;
	[tilespmem:s12+$0x7090] =	vst.add.f32.msk $0xffff, v1  }
0x91: {  	s0 =	sshll.u32 s1, $0x4;
	s1 =	sadd.s32 @!p0 s15, s10;
	[tilespmem:s12+$0x8990] =	vst.add.f32.msk $0xffff, v1  }
0x92: {  	s15 =	simm.s32 $0xC80;
	s0 =	sadd.s32 s7, s0;
	s1 =	smulhi.u32 @!p0 $0x51EB851F, s1;
	[tilespmem:s12+$0xA290] =	vst.add.f32.msk $0xffff, v1  }
0x93: {  	[hbm4b:s0+s29] =	stream.strided.scatter [tilespmem:s15], [sflag:$0x3], $0xC800, s6, s29, $0x38;
	[tilespmem:$0x1B580] =	vst v63  }
0x94: {  	s0 =	sshrl.u32 @!p0 s1, $0x6  }
0x95: {  	s1 =	simm.s32 @!p0 $0x3;
	s0 =	smul.u32 @!p0 $0xC8, s0  }
0x96: {  	_ =	swait.ge @!p0 [sflag:s1], $0xC800  }
0x97: {  	[sflag:s1] =	ssyncset.done @!p0 $0x0;
	s0 =	sshrl.u32 @!p0 s0, $0x3  }
0x98: {  	[sflag:s1] =	ssyncadd.s32 @!p0 $0xFFFF3800;
	s1 =	simm.s32 @!p0 $0x0;
	s0 =	sadd.s32 @!p0 s5, s0  }
0x99: {  	[tilespmem:s1], [sflag:$0x5] =	stream.linear.gather @!p0 [hbm4b:s0+s1], $0x640, $0x38;
	[tilespmem:$0x1B580] =	vst v63  }
0x9a: {  	s0 =	simm.s32 @!p0 $0x5  }
0x9b: {  	_ =	swait.ge @!p0 [sflag:s0], $0x640  }
0x9c: {  	[sflag:s0] =	ssyncset.done @!p0 $0x0  }
0x9d: {  	s12 =	simm.s32 @!p0 $0xC80;
	[sflag:s0] =	ssyncadd.s32 @!p0 $0xFFFFF9C0;
	s0 =	simm.s32 @!p0 $0xC8  }
0x9e: {  	[tilespmem:s12], [sflag:$0x1] =	stream.indirect.gather @!p0 [hbm4b:s3+s0], $0x20, s1, s0, $0xb8;
	[tilespmem:$0x1B580] =	vst v63  }
0x9f: {  	s1 =	simm.s32 @!p0 $0x2580  }
0xa0: {  	[tilespmem:s1], [sflag:$0x1] =	stream.indirect.gather @!p0 [hbm4b:s3+s0], $0x20, s0, s0, $0xb8;
	[tilespmem:$0x1B580] =	vst v63  }
0xa1: {  	s12 =	simm.s32 @!p0 $0x3E80;
	s1 =	simm.s32 @!p0 $0x190  }
0xa2: {  	[tilespmem:s12], [sflag:$0x1] =	stream.indirect.gather @!p0 [hbm4b:s3+s0], $0x20, s1, s0, $0xb8;
	[tilespmem:$0x1B580] =	vst v63  }
0xa3: {  	s1 =	simm.s32 @!p0 $0x258;
	s12 =	simm.s32 @!p0 $0x5780  }
0xa4: {  	[tilespmem:s12], [sflag:$0x1] =	stream.indirect.gather @!p0 [hbm4b:s3+s0], $0x20, s1, s0, $0xb8;
	[tilespmem:$0x1B580] =	vst v63  }
0xa5: {  	s1 =	simm.s32 @!p0 $0x320;
	s12 =	simm.s32 @!p0 $0x7080  }
0xa6: {  	[tilespmem:s12], [sflag:$0x1] =	stream.indirect.gather @!p0 [hbm4b:s3+s0], $0x20, s1, s0, $0xb8;
	[tilespmem:$0x1B580] =	vst v63  }
0xa7: {  	s1 =	simm.s32 @!p0 $0x3E8;
	s12 =	simm.s32 @!p0 $0x8980  }
0xa8: {  	[tilespmem:s12], [sflag:$0x1] =	stream.indirect.gather @!p0 [hbm4b:s3+s0], $0x20, s1, s0, $0xb8;
	[tilespmem:$0x1B580] =	vst v63  }
0xa9: {  	s1 =	simm.s32 @!p0 $0x4B0;
	s12 =	simm.s32 @!p0 $0xA280  }
0xaa: {  	[tilespmem:s12], [sflag:$0x1] =	stream.indirect.gather @!p0 [hbm4b:s3+s0], $0x20, s1, s0, $0xb8;
	[tilespmem:$0x1B580] =	vst v63  }
0xab: {  	s1 =	simm.s32 @!p0 $0x578;
	s12 =	simm.s32 @!p0 $0xBB80  }
0xac: {  	[tilespmem:s12], [sflag:$0x1] =	stream.indirect.gather @!p0 [hbm4b:s3+s0], $0x20, s1, s0, $0xb8;
	[tilespmem:$0x1B580] =	vst v63  }
0xad: {  	_ =	swait.ge [sflag:s8], $0x1900  }
0xae: {  	[sflag:s8] =	ssyncset.done $0x0  }
0xaf: {  	[sflag:s8] =	ssyncadd.s32 $0xFFFFE700  }
0xb0: {  	_ =	swait.ge [sflag:s8], $0x1900  }
0xb1: {  	[sflag:s8] =	ssyncset.done $0x0  }
0xb2: {  	[sflag:s8] =	ssyncadd.s32 $0xFFFFE700  }
0xb3: {  	_ =	swait.ge [sflag:s8], $0x1900  }
0xb4: {  	[sflag:s8] =	ssyncset.done $0x0  }
0xb5: {  	[sflag:s8] =	ssyncadd.s32 $0xFFFFE700  }
0xb6: {  	_ =	swait.ge [sflag:s8], $0x1900  }
0xb7: {  	[sflag:s8] =	ssyncset.done $0x0  }
0xb8: {  	[sflag:s8] =	ssyncadd.s32 $0xFFFFE700  }
0xb9: {  	_ =	swait.ge [sflag:s8], $0x1900  }
0xba: {  	[sflag:s8] =	ssyncset.done $0x0  }
0xbb: {  	[sflag:s8] =	ssyncadd.s32 $0xFFFFE700  }
0xbc: {  	_ =	swait.ge [sflag:s8], $0x1900  }
0xbd: {  	[sflag:s8] =	ssyncset.done $0x0  }
0xbe: {  	[sflag:s8] =	ssyncadd.s32 $0xFFFFE700  }
0xbf: {  	_ =	swait.ge [sflag:s8], $0x1900  }
0xc0: {  	[sflag:s8] =	ssyncset.done $0x0  }
0xc1: {  	[sflag:s8] =	ssyncadd.s32 $0xFFFFE700  }
0xc2: {  	_ =	swait.ge [sflag:s8], $0x1900  }
0xc3: {  	[sflag:s8] =	ssyncset.done $0x0  }
0xc4: {  	s0 =	simm.s32 $0x0;
	[sflag:s8] =	ssyncadd.s32 $0xFFFFE700  }
0xc5: {  	v0 =	vld [tilespmem:s0+$0x19C90]  }
0xc6: {  	v1 =	vld [tilespmem:s0+$0x19C80];
	_ =	sdelay $0x3  }
0xc7: {  	[tilespmem:s0+$0x18390] =	vst.add.f32.msk $0xffff, v0  }
0xc8: {  	[tilespmem:s0+$0xD480] =	vst.add.f32.msk $0xffff, v1  }
0xc9: {  	[tilespmem:s0+$0xED80] =	vst.add.f32.msk $0xffff, v1  }
0xca: {  	[tilespmem:s0+$0x10680] =	vst.add.f32.msk $0xffff, v1  }
0xcb: {  	[tilespmem:s0+$0x11F80] =	vst.add.f32.msk $0xffff, v1  }
0xcc: {  	[tilespmem:s0+$0x13880] =	vst.add.f32.msk $0xffff, v1  }
0xcd: {  	[tilespmem:s0+$0x15180] =	vst.add.f32.msk $0xffff, v1  }
0xce: {  	[tilespmem:s0+$0x16A80] =	vst.add.f32.msk $0xffff, v1  }
0xcf: {  	[tilespmem:s0+$0x18380] =	vst.add.f32.msk $0xffff, v1  }
0xd0: {  	[tilespmem:s0+$0xD490] =	vst.add.f32.msk $0xffff, v0  }
0xd1: {  	[tilespmem:s0+$0xED90] =	vst.add.f32.msk $0xffff, v0  }
0xd2: {  	[tilespmem:s0+$0x10690] =	vst.add.f32.msk $0xffff, v0  }
0xd3: {  	s12 =	simm.s32 $0x20;
	s1 =	simm.s32 $0x100;
	[tilespmem:s0+$0x11F90] =	vst.add.f32.msk $0xffff, v0  }
.LBB2_5:
0xd4: {  	p0 =	sne.s32 s1, $0x6380;
	v1 =	vld [tilespmem:s12+$0x19C90]  }
0xd5: {  	v2 =	vld [tilespmem:s12+$0x19C80]  }
0xd6: {  	[tilespmem:s0+$0x13890] =	vst.add.f32.msk $0xffff, v0  }
0xd7: {  	[tilespmem:s0+$0x15190] =	vst.add.f32.msk $0xffff, v0  }
0xd8: {  	[tilespmem:s0+$0x16A90] =	vst.add.f32.msk $0xffff, v0;
	s0 =	smov.u32 s12  }
0xd9: {  	[tilespmem:s0+$0x18390] =	vst.add.f32.msk $0xffff, v1;
	v0 =	vmov v1  }
0xda: {  	[tilespmem:s0+$0xD480] =	vst.add.f32.msk $0xffff, v2  }
0xdb: {  	[tilespmem:s0+$0xED80] =	vst.add.f32.msk $0xffff, v2  }
0xdc: {  	[tilespmem:s0+$0x10680] =	vst.add.f32.msk $0xffff, v2  }
0xdd: {  	[tilespmem:s0+$0x11F80] =	vst.add.f32.msk $0xffff, v2  }
0xde: {  	[tilespmem:s0+$0x13880] =	vst.add.f32.msk $0xffff, v2  }
0xdf: {  	[tilespmem:s0+$0x15180] =	vst.add.f32.msk $0xffff, v2  }
0xe0: {  	[tilespmem:s0+$0x16A80] =	vst.add.f32.msk $0xffff, v2  }
.Ltmp1:
0xe1: {  	[tilespmem:s0+$0x18380] =	vst.add.f32.msk $0xffff, v2;
	(pc) =	sbr.rel @p0 .LBB2_5-.Ltmp1, $4  }
0xe2: {  	[tilespmem:s0+$0xD490] =	vst.add.f32.msk $0xffff, v0  }
0xe3: {  	[tilespmem:s0+$0xED90] =	vst.add.f32.msk $0xffff, v0  }
0xe4: {  	[tilespmem:s0+$0x10690] =	vst.add.f32.msk $0xffff, v0  }
0xe5: {  	s12 =	sshra.s32 s1, $0x2;
	s1 =	sadd.s32 $0x80, s1;
	[tilespmem:s0+$0x11F90] =	vst.add.f32.msk $0xffff, v0  }
0xe6: {  	v1 =	vld [tilespmem:s12+$0x19C90]  }
0xe7: {  	v2 =	vld [tilespmem:s12+$0x19C80]  }
0xe8: {  	[tilespmem:s0+$0x13890] =	vst.add.f32.msk $0xffff, v0  }
0xe9: {  	[tilespmem:s0+$0x15190] =	vst.add.f32.msk $0xffff, v0  }
0xea: {  	[tilespmem:s0+$0x16A90] =	vst.add.f32.msk $0xffff, v0  }
0xeb: {  	[tilespmem:s12+$0x18390] =	vst.add.f32.msk $0xffff, v1  }
0xec: {  	[tilespmem:s12+$0xD480] =	vst.add.f32.msk $0xffff, v2  }
0xed: {  	[tilespmem:s12+$0xED80] =	vst.add.f32.msk $0xffff, v2  }
0xee: {  	[tilespmem:s12+$0x10680] =	vst.add.f32.msk $0xffff, v2  }
0xef: {  	[tilespmem:s12+$0x11F80] =	vst.add.f32.msk $0xffff, v2  }
0xf0: {  	[tilespmem:s12+$0x13880] =	vst.add.f32.msk $0xffff, v2  }
0xf1: {  	[tilespmem:s12+$0x15180] =	vst.add.f32.msk $0xffff, v2  }
0xf2: {  	[tilespmem:s12+$0x16A80] =	vst.add.f32.msk $0xffff, v2  }
0xf3: {  	[tilespmem:s12+$0x18380] =	vst.add.f32.msk $0xffff, v2  }
0xf4: {  	[tilespmem:s12+$0xD490] =	vst.add.f32.msk $0xffff, v1  }
0xf5: {  	s2 =	sadd.s32 $0x1, s2;
	[tilespmem:s12+$0xED90] =	vst.add.f32.msk $0xffff, v1  }
0xf6: {  	p0 =	sne.s32 s2, $0x8;
	[tilespmem:s12+$0x10690] =	vst.add.f32.msk $0xffff, v1  }
.Ltmp2:
0xf7: {  	[tilespmem:s12+$0x11F90] =	vst.add.f32.msk $0xffff, v1;
	(pc) =	sbr.rel @p0 .LBB2_2-.Ltmp2, $4  }
0xf8: {  	s15 =	sshll.u32 s11, $0x4;
	[tilespmem:s12+$0x13890] =	vst.add.f32.msk $0xffff, v1  }
0xf9: {  	s0 =	sand.u32 $0x1FFFFC00, s15;
	[tilespmem:s12+$0x15190] =	vst.add.f32.msk $0xffff, v1  }
0xfa: {  	s0 =	sadd.s32 s7, s0;
	[tilespmem:s12+$0x16A90] =	vst.add.f32.msk $0xffff, v1  }
0xfb: {  	[hbm4b:s0+s29] =	stream.strided.scatter [tilespmem:s31], [sflag:$0x4], $0xC800, s6, s29, $0x38;
	[tilespmem:$0x1B580] =	vst v63  }
0xfc: {  	s0 =	simm.s32 $0x3  }
0xfd: {  	_ =	swait.ge [sflag:s0], $0xC800  }
0xfe: {  	[sflag:s0] =	ssyncset.done $0x0  }
0xff: {  	s1 =	simm.s32 $0x4;
	[sflag:s0] =	ssyncadd.s32 $0xFFFF3800  }
0x100: {  	_ =	swait.ge [sflag:s1], $0xC800  }
0x101: {  	s2 =	rddreg [dreg:$0x5]  }
0x102: {  	s15 =	rddreg [dreg:$0x4];
	s2 =	sadd.s32 $0x1, s2  }
0x103: {  	p0 =	sne.s32 s2, s15  }
.Ltmp3:
0x104: {  	_ = 	snop;
	(pc) =	sbr.rel @p0 .LBB2_1-.Ltmp3, $3  }
0x105: {  	_ =	sdelay $0x1  }
0x106: {  	[sflag:s1] =	ssyncset.done $0x0  }
0x107: {  	[sflag:s1] =	ssyncadd.s32 $0xFFFF3800  }
0x108: {  	_ =	sfence.sel $0x180000  }
0x109: {  	[bflag:$0x0] =	sbarrier.arrive $0xFFFF  }
0x10a: {  	_ =	strace $0x90000047  }
0x10b: {  	s0 =	stileid.u32;
	[bflag:$0x2] =	sbarrier.arrive $0xFFFF  }
0x10c: {  	p0 =	sne.s32 s0, $0x0;
	s0 =	rddreg [dreg:$0x1]  }
0x10d: {  	s0 =	sadd.s32 @!p0 $0x100000, s0  }
0x10e: {  	[sflag:s0] =	ssyncadd.tile.s32 @!p0 $0x1;
	_ =	shalt  }
.Lfunc_end2:
_tile_overlayer_lowered:
.L_overlay_start_2:
0x10f: {  	(tag) =	ssettag $0x2  }
0x110: {  	s0 =	rddreg [dreg:$0x0];
	s2 =	stileid.u32  }
0x111: {  	s1 =	rddreg [dreg:$0x1];
	p0 =	sne.s32 s2, $0x0  }
0x112: {  	s3 =	rddreg [dreg:$0x2];
	[bflag:$0x3] =	sbarrier.arrive $0xFFFF;
	s2 =	simm.s32 @!p0 $0x1C05  }
0x113: {  	[timem:s3], [sflag:s2] =	dma.local @!p0 [hbm:s0], s1  }
0x114: {  	s0 =	simm.s32 @!p0 $0x5  }
0x115: {  	_ =	swait.ge @!p0 [sflag:s0], s1  }
0x116: {  	s1 =	ssub.s32 @!p0 $0x0, s1;
	[sflag:s0] =	ssyncset.done @!p0 $0x0  }
0x117: {  	[sflag:s0] =	ssyncadd.s32 @!p0 s1  }
0x118: {  	[bflag:$0x3] =	sbarrier.arrive $0xFFFF  }
0x119: {  	_ =	shalt  }

// kernel: sparse-core-data-format-call.cloned.1.call-start
scs
called_computation_lowered:
.L_overlay_start_0:
0x0: {  	s2 =	sld [smem:$0x3FD9]  }
0x1: {  	s3 =	sld [smem:$0x3FFE];
	_ =	sdelay $0x1  }
0x2: {  	s1 =	srdreg.scid  }
0x3: {  	s0 =	sand.u32 $0x1, s1  }
0x4: {  	s18 =	sshll.u32 s0, $0xA;
	s2 =	sadd.s32 s3, s2  }
0x5: {  	s2 =	sadd.s32 s2, s18  }
0x6: {  	[smem:$0x3FC5] =	sst s2  }
0x7: {  	_ = 	snop  }
0x8: {  	s2 =	sld [smem:$0x3FD0];
	(tm) =	ssettm $0x1  }
0x9: {  	s19 =	sld [smem:$0x3FFB];
	_ =	sdelay $0x3  }
0xa: {  	_ =	strace s19  }
0xb: {  	s3 =	sld [smem:$0x3FFC];
	_ =	sdelay $0x3  }
0xc: {  	_ =	strace s3  }
0xd: {  	s3 =	sld [smem:$0x3FFD];
	_ =	sdelay $0x3  }
0xe: {  	_ =	strace s3  }
0xf: {  	_ =	strace $0x8FFFFFFF  }
0x10: {  	s20 =	sld [smem:$0x3FDB];
	_ =	sdelay $0x1  }
0x11: {  	s4 =	simm.s32 $_scs_section_size  }
0x12: {  	s5 =	simm.s32 $_size__tile_overlayer_lowered;
	s6 =	simm.s32 $_tile_overlayer_lowered  }
0x13: {  	s23 =	simm.s32 $0x1BFF;
	s22 =	sshll.u32 s6, $0x1;
	s3 =	sadd.s32 s4, s20  }
0x14: {  	s7 =	simm.s32 $0x0;
	s21 =	sshll.u32 s5, $0x1;
	s5 =	sadd.s32 s22, s3  }
0x15: {  	[timem:s7], [sflag:s23] =	dma.local [hbm:s5], s21  }
0x16: {  	_ =	swait.ge [sflag:s23], s21  }
0x17: {  	s4 =	ssub.s32 $0x0, s21;
	[sflag:s23] =	ssyncset.done $0x0  }
0x18: {  	[sflag:s23] =	ssyncadd.s32 s4;
	_ =	sdelay $0x1  }
0x19: {  	s24 =	simm.s32 $0x1B8B  }
0x1a: {  	_ =	swait.ge [sflag:s24], $0x1  }
0x1b: {  	[sflag:s24] =	ssyncset.done $0x0  }
0x1c: {  	s26 =	simm.s32 $0x1B8E;
	s25 =	sld [smem:$0x3FFE];
	[sflag:s24] =	ssyncadd.s32 $0xFFFFFFFF  }
0x1d: {  	s27 =	simm.s32 $execute0_lowered;
	[smem:$0x3FD2] =	sst s26  }
0x1e: {  	s5 =	sshll.u32 s27, $0x1;
	_ =	strace $0x80000049;
	[dreg:$0x1] =	wrdreg $0xFFFFFFFF  }
0x1f: {  	s28 =	simm.s32 $_size_execute0_lowered;
	s3 =	sadd.s32 s3, s5;
	[dreg:$0x0] =	wrdreg $0x0  }
0x20: {  	s5 =	sshll.u32 s28, $0x1;
	[dreg:$0x2] =	wrdreg s3  }
0x21: {  	[dreg:$0x3] =	wrdreg s5  }
0x22: {  	[dreg:$0x4] =	wrdreg $0xC0  }
0x23: {  	_ =	task [dreg:s7], $0x5FFFF  }
0x24: {  	[dreg:$0x1] =	wrdreg $0xFFFFFFFF  }
0x25: {  	[dreg:$0x0] =	wrdreg $0x60  }
0x26: {  	[dreg:$0x2] =	wrdreg s25  }
0x27: {  	[dreg:$0x3] =	wrdreg s2  }
0x28: {  	[dreg:$0x4] =	wrdreg $0x9  }
0x29: {  	_ =	task.clear_ibuf [dreg:s7], $0x5FFFF;
	_ =	strace $0x90000049  }
0x2a: {  	s29 =	simm.s32 $0x9;
	_ =	strace $0x8000004B  }
0x2b: {  	_ =	swait.ge [sflag:s29], $0x1  }
0x2c: {  	[sflag:s29] =	ssyncadd.s32 $0xFFFFFFFF  }
0x2d: {  	_ =	strace $0x9000004B  }
0x2e: {  	_ =	sfence  }
0x2f: {  	s30 =	sld [smem:$0x0];
	_ =	sdelay $0x2  }
0x30: {  	s31 =	sshll.u32 s1, $0xD;
	s1 =	sshrl.u32 s1, $0x2  }
0x31: {  	s3 =	sand.u32 $0x4000, s31;
	s1 =	sadd.s32 s1, s30  }
0x32: {  	s0 =	sor.u32 s3, s0;
	s1 =	sshll.u32 s1, $0x11  }
0x33: {  	s0 =	sor.u32 s1, s0  }
0x34: {  	s0 =	sadd.s32 $0x8F2B, s0  }
0x35: {  	[sflag:s0] =	ssyncadd.remote.s32 $0x1  }
0x36: {  	_ =	sfence.sel $0xFFFF  }
0x37: {  	[dreg:$0x0] =	wrdreg $0xFFFFFFFF;
	(pc) =	sbr.abs _section_cstart, $3  }
0x38: {  	[dreg:$0x1] =	wrdreg $0xFFFFFFFF  }
0x39: {  	_ =	task.clear_ibuf [dreg:s7], $0x2FFFF;
	_ =	strace $0x9FFFFFFF  }
0x3a: {  	(tm) =	ssettm $0x7FFFFFFF  }
0x3b: {  	_ =	shalt  }
tec
execute0_lowered:
.L_overlay_start_1:
0x0: {  	(tag) =	ssettag $0x1  }
0x1: {  	s0 =	srdreg.scid  }
0x2: {  	s1 =	sshll.u32 s0, $0x4  }
0x3: {  	s0 =	stileid.u32;
	s1 =	sand.u32 $0x10, s1  }
0x4: {  	s1 =	sor.u32 s0, s1  }
0x5: {  	s6 =	rddreg [dreg:$0x0];
	s4 =	simm.s32 $0x1;
	s2 =	sshll.u32 s1, $0x7  }
0x6: {  	s7 =	simm.s32 $0x2;
	s12 =	simm.s32 $0x0;
	s1 =	ssub.s32 $0x1000, s2  }
0x7: {  	s8 =	simm.s32 $0x8000;
	s13 =	simm.s32 $0x0;
	s3 =	sand.u32 $0xF80, s1  }
0x8: {  	s9 =	simm.s32 $0x0;
	s5 =	sshrl.u32 s1, $0xC;
	p0 =	sne.s32 s3, $0x0  }
.Ltmp0:
0x9: {  	s1 =	rddreg [dreg:$0x2];
	s4 =	simm.s32 @!p0 $0x0;
	(pc) =	sbr.rel .LBB1_1-.Ltmp0, $4  }
0xa: {  	s11 =	simm.s32 $0x0;
	s3 =	rddreg [dreg:$0x1];
	s5 =	sadd.s32 s4, s5  }
0xb: {  	_ =	strace $0x8000004A;
	s4 =	simm.s32 $0x1;
	s5 =	smul.u32 $0xC8, s5  }
0xc: {  	s6 =	sadd.s32 $0x7BA00, s6;
	s10 =	smov.u32 s2;
	[sflag:s4] =	ssyncpa.u1 $0x0  }
0xd: {  	p0 =	por $0x0, $0x0;
	[sflag:s7] =	ssyncpa.u1 $0x0;
	s7 =	sor.u32 $0x1, s5  }
.LBB1_4:
0xe: {  	s16 =	sshll.u32 s13, $0x3;
	s17 =	sand.u32 $0x78, s13  }
0xf: {  	s30 =	sand.u32 $0x3E00, s13;
	s12 =	sshll.u32 s12, $0xE;
	s16 =	sand.u32 $0xC00, s16  }
0x10: {  	s31 =	sand.u32 $0x7, s13;
	s16 =	sor.u32 s17, s16;
	s17 =	sadd.s32 s3, s30  }
0x11: {  	s13 =	sshll.u32 s31, $0x12;
	s16 =	sshrl.u32 s16, $0x3;
	s12 =	sadd.s32 s12, s17  }
0x12: {  	[tilespmem:s15+$0x0 ss:$0x81] =	vst.msk $0xffff, v0;
	s13 =	sor.u32 $0x400, s13;
	s12 =	sadd.s32 s16, s12  }
0x13: {  	[hbm4b:s12+s13] =	stream.strided.scatter [tilespmem:s14], [sflag:$0x2], $0x1000, s8, s13, $0x20;
	[tilespmem:$0x4040] =	vst v63  }
.LBB1_5:
0x14: {  	s14 =	sadd.s32 $0x1, s9  }
0x15: {  	s12 =	sadd.s32 $0x1000, s10;
	s16 =	smov.u32 s10;
	p2 =	sgt.s32 s14, $0xC7  }
0x16: {  	s16 =	smov.u32 @p2 s12  }
0x17: {  	s14 =	simm.s32 @p2 $0x0;
	p2 =	sgt.s32 s16, $0xFFF  }
0x18: {  	s16 =	smov.u32 @p2 s2;
	p2 =	sne.s32 s11, s7  }
.Ltmp1:
0x19: {  	p1 =	slt.u32 s11, $0x2;
	(pc) =	sbr.rel @!p2 .LBB1_6-.Ltmp1, $4  }
0x1a: {  	s15 =	simm.s32 @!p1 $0x2  }
0x1b: {  	s13 =	smov.u32 s10;
	p0 =	por !p0, !p0;
	_ =	swait.ge @!p1 [sflag:s15], $0x1000  }
0x1c: {  	s12 =	smov.u32 s9;
	[sflag:s15] =	ssyncset.done @!p1 $0x0;
	s9 =	smov.u32 s14  }
0x1d: {  	s11 =	sadd.s32 $0x1, s11;
	[sflag:s15] =	ssyncadd.s32 @!p1 $0xFFFFF000;
	s10 =	smov.u32 s16  }
.LBB1_1:
0x1e: {  	p1 =	sge.u32 s11, s5  }
0x1f: {  	s14 =	sand.u32 @!p1 $0x1FFFFFF, s9  }
0x20: {  	s15 =	smulhi.u32 @!p1 $0x147AE15, s14;
	_ =	sdelay $0x1  }
0x21: {  	s15 =	smul.u32 @!p1 $0xC8, s15  }
0x22: {  	s16 =	sxor.u32 @!p1 $0xFFFFFFFF, s11;
	s17 =	smul.u32 @!p1 $0xC80, s10  }
0x23: {  	s31 =	sadd.s32 $0xFFFFFFFF, s11;
	s16 =	sshll.u32 @!p1 s16, $0xC;
	s14 =	ssub.s32 @!p1 s14, s15  }
0x24: {  	s15 =	sand.u32 @!p1 $0x1000, s16;
	s16 =	sadd.s32 @!p1 s6, s17;
	s14 =	sshll.u32 @!p1 s14, $0x4  }
0x25: {  	s17 =	simm.s32 @!p1 $0x6400;
	s14 =	sadd.s32 @!p1 s14, s16;
	s16 =	simm.s32 @!p1 $0x20  }
0x26: {  	[tilespmem:s15], [sflag:$0x1] =	stream.strided.gather @!p1 [hbm4b:s14+s16], $0x1000, s17, s16, $0x38;
	[tilespmem:$0x4040] =	vst v63  }
0x27: {  	p1 =	sge.u32 s31, s5  }
.Ltmp2:
0x28: {  	_ = 	snop;
	(pc) =	sbr.rel @p1 .LBB1_5-.Ltmp2, $1  }
0x29: {  	_ =	sdelay $0x3  }
0x2a: {  	s14 =	simm.s32 $0x1  }
0x2b: {  	_ =	swait.ge [sflag:s4], $0x1000;
	s14 =	simm.s32 @!p0 $0x0  }
0x2c: {  	[sflag:s4] =	ssyncset.done $0x0;
	s15 =	sshll.u32 s14, $0xC  }
0x2d: {  	[sflag:s4] =	ssyncadd.s32 $0xFFFFF000;
	s18 =	sor.u32 $0x10, s15  }
0x2e: {  	s14 =	smul.u32 $0x4080, s14;
	v1 =	vld [tilespmem:s18+$0x0]  }
0x2f: {  	s30 =	sand.u32 $0x1, s11;
	v0 =	vld [tilespmem:s18+$0xFFFFFFF0]  }
0x30: {  	s15 =	smul.u32 $0x4080, s30;
	s14 =	sshrl.u32 s14, $0x2  }
0x31: {  	s16 =	sor.u32 $0x2000, s14  }
0x32: {  	s31 =	sshrl.u32 s15, $0x2;
	s15 =	sadd.s32 $0x0, s16  }
0x33: {  	s17 =	simm.s32 $0x4;
	s18 =	sadd.s32 $0x20, s18;
	s14 =	sor.u32 $0x2000, s31;
	[tilespmem:s15+$0x810 ss:$0x81] =	vst.msk $0xffff, v1  }
.LBB1_3:
0x34: {  	v1 =	vld [tilespmem:s18+$0x0];
	p1 =	sne.s32 s17, $0x1FC;
	[tilespmem:s15+$0x0 ss:$0x81] =	vst.msk $0xffff, v0;
	s15 =	smov.u32 s17;
	s17 =	sadd.s32 $0x4, s17  }
.Ltmp3:
0x35: {  	v0 =	vld [tilespmem:s18+$0xFFFFFFF0];
	(pc) =	sbr.rel @p1 .LBB1_3-.Ltmp3, $4  }
0x36: {  	_ = 	snop  }
0x37: {  	s15 =	sshra.s32 s15, $0x2  }
0x38: {  	s15 =	sadd.s32 s15, s16  }
0x39: {  	s18 =	sadd.s32 $0x20, s18;
	[tilespmem:s15+$0x810 ss:$0x81] =	vst.msk $0xffff, v1  }
.Ltmp4:
0x3a: {  	_ = 	snop;
	(pc) =	sbr.rel .LBB1_4-.Ltmp4, $1  }
0x3b: {  	_ =	sdelay $0x3  }
.LBB1_6:
0x3c: {  	_ =	sfence.sel $0x180000  }
0x3d: {  	s2 =	simm.s32 $0x1;
	[bflag:$0x0] =	sbarrier.arrive $0xFFFF  }
0x3e: {  	s31 =	simm.s32 $0x2;
	[sflag:s2] =	ssyncpa.u1 $0x1  }
0x3f: {  	[sflag:s31] =	ssyncpa.u1 $0x1  }
0x40: {  	p0 =	sne.s32 s0, $0x0;
	_ =	strace $0x9000004A  }
0x41: {  	s0 =	sadd.s32 @!p0 $0x100000, s1;
	[bflag:$0x2] =	sbarrier.arrive $0xFFFF  }
0x42: {  	[sflag:s0] =	ssyncadd.tile.s32 @!p0 $0x1;
	_ =	shalt  }
.Lfunc_end1:
_tile_overlayer_lowered:
.L_overlay_start_2:
0x43: {  	(tag) =	ssettag $0x2  }
0x44: {  	s0 =	rddreg [dreg:$0x0];
	s2 =	stileid.u32  }
0x45: {  	s1 =	rddreg [dreg:$0x1];
	p0 =	sne.s32 s2, $0x0  }
0x46: {  	s3 =	rddreg [dreg:$0x2];
	[bflag:$0x3] =	sbarrier.arrive $0xFFFF;
	s2 =	simm.s32 @!p0 $0x1C01  }
0x47: {  	[timem:s3], [sflag:s2] =	dma.local @!p0 [hbm:s0], s1  }
0x48: {  	s0 =	simm.s32 @!p0 $0x1  }
0x49: {  	_ =	swait.ge @!p0 [sflag:s0], s1  }
0x4a: {  	s1 =	ssub.s32 @!p0 $0x0, s1;
	[sflag:s0] =	ssyncset.done @!p0 $0x0  }
0x4b: {  	[sflag:s0] =	ssyncadd.s32 @!p0 s1  }
0x4c: {  	[bflag:$0x3] =	sbarrier.arrive $0xFFFF  }
0x4d: {  	_ =	shalt  }

</sc_bundles>
